<compile_context>
chip_gen: v7x
topology: tpu7x:2x2x1
jax: 0.10.2.dev20260603
libtpu: 0.0.44.dev20260713+nightly
codegen_flags: <defaults>
</compile_context>

<pallas_src>
import functools
import math

import jax
import jax.numpy as jnp
from jax import lax
from jax.experimental import pallas as pl
from jax.experimental.pallas import tpu as pltpu
from jax.experimental.pallas import tpu_sc as plsc

D_MODEL = 64
D_PAD = 128
SCALE = math.sqrt(D_MODEL)

NUM_CORES = 2
NUM_SUBCORES = 16
NUM_WORKERS = NUM_CORES * NUM_SUBCORES
LANES = 16
NBUF = 4
LOOKAHEAD = 2


@functools.partial(jax.jit, static_argnames=("total_rows", "chunk"))
def _embed(x_flat, table_c, *, total_rows, chunk):
    rows_per_worker = total_rows // NUM_WORKERS
    num_chunks = rows_per_worker // chunk
    assert num_chunks % NBUF == 0
    outer = num_chunks // NBUF
    mesh = plsc.VectorSubcoreMesh(core_axis_name="c", subcore_axis_name="s")

    @functools.partial(
        pl.kernel,
        mesh=mesh,
        out_type=jax.ShapeDtypeStruct((total_rows, D_PAD), jnp.float32),
        scratch_types=[
            pltpu.VMEM((rows_per_worker,), jnp.int32),
            pltpu.VMEM((NBUF, chunk, D_MODEL), jnp.float32),
            [pltpu.SemaphoreType.DMA] * NBUF,
            [pltpu.SemaphoreType.DMA] * NBUF,
        ],
        compiler_params=pltpu.CompilerParams(use_tc_tiling_on_sc=False),
    )
    def k(table_hbm, idx_hbm, out_hbm, idx_v, rows_v, gsems, ssems):
        wid = lax.axis_index("s") * NUM_CORES + lax.axis_index("c")
        base = wid * rows_per_worker
        pltpu.sync_copy(idx_hbm.at[pl.ds(base, rows_per_worker)], idx_v)

        def gather(i, b, sem):
            idx_sl = idx_v.at[pl.ds(i * chunk, chunk)]
            return pltpu.make_async_copy(table_hbm.at[idx_sl], rows_v.at[b], sem)

        def scatter(i, b, sem):
            dst = out_hbm.at[pl.ds(base + i * chunk, chunk), pl.ds(0, D_MODEL)]
            return pltpu.make_async_copy(rows_v.at[b], dst, sem)

        for b in range(LOOKAHEAD):
            gather(b, b, gsems[b]).start()

        def outer_body(t, _):
            for b in range(NBUF):
                i = t * NBUF + b
                j = i + LOOKAHEAD
                bj = (b + LOOKAHEAD) % NBUF

                @pl.when(j < num_chunks)
                def _():
                    @pl.when(j >= NBUF)
                    def _():
                        scatter(j - NBUF, bj, ssems[bj]).wait()

                    gather(j, bj, gsems[bj]).start()

                gather(i, b, gsems[b]).wait()

                @plsc.parallel_loop(0, chunk, unroll=4)
                def _(r):
                    for jj in range(D_MODEL // LANES):
                        sl = pl.ds(jj * LANES, LANES)
                        rows_v[b, r, sl] = rows_v[b, r, sl] * SCALE

                scatter(i, b, ssems[b]).start()
            return 0

        lax.fori_loop(0, outer, outer_body, 0)
        for b in range(NBUF):
            scatter(num_chunks - NBUF + b, b, ssems[b]).wait()

    return k(table_c, x_flat)


def kernel(x, table):
    total_rows = x.shape[0] * x.shape[1]
    x_flat = x.reshape(total_rows).astype(jnp.int32) * 2
    vocab = table.shape[0]
    table_p = jnp.pad(table, ((0, 0), (0, D_PAD - D_MODEL)))
    table_v = table_p.reshape(2 * vocab, D_MODEL)
    out = _embed(x_flat, table_v, total_rows=total_rows, chunk=400)
    out = out.reshape(x.shape[0], x.shape[1], D_PAD)[:, :, :D_MODEL]
    return out

# --- scband reference (transcript-rebuilt; emitter-appended) ---
"""Pipeline reference for scband-input-embedding-49349174231316 (READ-ONLY COPY).

The authoritative reference and input builder live on the scoring server;
editing this copy changes nothing except your own understanding.
"""

import jax, jax.numpy as jnp
import numpy as np
import math

VOCAB = 1000000
D_MODEL = 64

def setup_inputs(seed: int = 0) -> dict:
    key = jax.random.key(seed)
    k1, k2 = jax.random.split(key)
    x = jax.random.randint(k1, (4096, 200), 0, VOCAB, dtype=jnp.int64)
    table = jax.random.normal(k2, (VOCAB, D_MODEL), dtype=jnp.float32)
    return {"x": x, "table": table}

def reference(x, table):
    out = jnp.take(table, x, axis=0) * math.sqrt(D_MODEL)
    return out

if __name__ == "__main__":
    import jax
    _d = setup_inputs()
    print(jax.jit(kernel)(*tuple(_d.values())))

</pallas_src>

<mosaic_0001>
#map = affine_map<(d0, d1) -> (0, 0)>
#map1 = affine_map<(d0, d1) -> (0)>
module attributes {stable_mosaic.version = 14 : i64} {
  func.func @k(%arg0: i32, %arg1: i32, %arg2: memref<2000000x64xf32, #tpu.memory_space<hbm>>, %arg3: memref<819200xi32, #tpu.memory_space<hbm>>, %arg4: memref<819200x128xf32, #tpu.memory_space<hbm>>, %arg5: memref<25600xi32, #tpu.memory_space<vmem>>, %arg6: memref<4x400x64xf32, #tpu.memory_space<vmem>>, %arg7: memref<!tpu.dma_semaphore, #tpu.memory_space<semaphore_mem>>, %arg8: memref<!tpu.dma_semaphore, #tpu.memory_space<semaphore_mem>>, %arg9: memref<!tpu.dma_semaphore, #tpu.memory_space<semaphore_mem>>, %arg10: memref<!tpu.dma_semaphore, #tpu.memory_space<semaphore_mem>>, %arg11: memref<!tpu.dma_semaphore, #tpu.memory_space<semaphore_mem>>, %arg12: memref<!tpu.dma_semaphore, #tpu.memory_space<semaphore_mem>>, %arg13: memref<!tpu.dma_semaphore, #tpu.memory_space<semaphore_mem>>, %arg14: memref<!tpu.dma_semaphore, #tpu.memory_space<semaphore_mem>>) attributes {dimension_semantics = [#tpu.dimension_semantics<core_parallel>, #tpu.dimension_semantics<subcore_parallel>], iteration_bounds = array<i64: 2, 16>, scalar_prefetch = 0 : i64, scratch_operands = 10 : i64, tpu.core_type = #tpu.core_type<sc_vector_subcore>, window_params = [{transform_indices = #map}, {transform_indices = #map1}, {transform_indices = #map}]} {
    %mul3A = arith.constant 2 : i32
    %mul3A_0 = arith.muli %arg1, %mul3A : i32
    %add3A = arith.addi %mul3A_0, %arg0 : i32
    %mul3A_1 = arith.constant 25600 : i32
    %mul3A_2 = arith.muli %add3A, %mul3A_1 : i32
    "tpu.region"() ({
      %run_scoped3A = tpu.sem_alloc : memref<!tpu.dma_semaphore, #tpu.memory_space<semaphore_mem>>
      %dma_start3A_87 = tpu.memref_slice %arg3[%mul3A_2] : memref<819200xi32, #tpu.memory_space<hbm>> -> memref<25600xi32, #tpu.memory_space<hbm>>
      %dma_start3A_88 = tpu.memref_slice %arg3[%mul3A_2] : memref<819200xi32, #tpu.memory_space<hbm>> -> memref<25600xi32, #tpu.memory_space<hbm>>
      tpu.enqueue_dma source(%dma_start3A_88 : memref<25600xi32, #tpu.memory_space<hbm>>) target(%arg5 : memref<25600xi32, #tpu.memory_space<vmem>>) target_semaphore(%run_scoped3A : memref<!tpu.dma_semaphore, #tpu.memory_space<semaphore_mem>>)
      %dma_wait3A_89 = tpu.memref_slice %arg3[%mul3A_2] : memref<819200xi32, #tpu.memory_space<hbm>> -> memref<25600xi32, #tpu.memory_space<hbm>>
      %dma_wait3A_90 = tpu.memref_slice %arg3[%mul3A_2] : memref<819200xi32, #tpu.memory_space<hbm>> -> memref<25600xi32, #tpu.memory_space<hbm>>
      tpu.wait_dma2 semaphore(%run_scoped3A : memref<!tpu.dma_semaphore, #tpu.memory_space<semaphore_mem>>) src(%dma_wait3A_90 : memref<25600xi32, #tpu.memory_space<hbm>>) dst(%arg5 : memref<25600xi32, #tpu.memory_space<vmem>>)
      tpu.yield
    }) : () -> ()
    %dma_start3A = arith.constant 0 : i32
    %dma_start3A_3 = arith.constant 0 : i32
    %dma_start3A_4 = arith.constant 0 : i32
    %dma_start3A_5 = tpu.memref_slice %arg6[%dma_start3A, %dma_start3A_3, %dma_start3A_4] : memref<4x400x64xf32, #tpu.memory_space<vmem>> -> memref<1x400x64xf32, #tpu.memory_space<vmem>>
    %dma_start3A_6 = tpu.memref_squeeze %dma_start3A_5 : memref<1x400x64xf32, #tpu.memory_space<vmem>> -> memref<400x64xf32, #tpu.memory_space<vmem>>
    %dma_start3A_7 = arith.constant 0 : i32
    %dma_start3A_8 = tpu.memref_slice %arg5[%dma_start3A_7] : memref<25600xi32, #tpu.memory_space<vmem>> -> memref<400xi32, #tpu.memory_space<vmem>>
    %dma_start3A_9 = arith.constant 0 : i32
    %dma_start3A_10 = arith.constant 0 : i32
    %dma_start3A_11 = tpu.memref_slice %arg2[%dma_start3A_9, %dma_start3A_10] : memref<2000000x64xf32, #tpu.memory_space<hbm>> -> memref<2000000x64xf32, #tpu.memory_space<hbm>>
    tpu.enqueue_indirect_dma source(%dma_start3A_11 : memref<2000000x64xf32, #tpu.memory_space<hbm>>) target(%dma_start3A_6 : memref<400x64xf32, #tpu.memory_space<vmem>>) offsets(%dma_start3A_8 : memref<400xi32, #tpu.memory_space<vmem>>) semaphore(%arg7 : memref<!tpu.dma_semaphore, #tpu.memory_space<semaphore_mem>>)
    %dma_start3A_12 = arith.constant 1 : i32
    %dma_start3A_13 = arith.constant 0 : i32
    %dma_start3A_14 = arith.constant 0 : i32
    %dma_start3A_15 = tpu.memref_slice %arg6[%dma_start3A_12, %dma_start3A_13, %dma_start3A_14] : memref<4x400x64xf32, #tpu.memory_space<vmem>> -> memref<1x400x64xf32, #tpu.memory_space<vmem>>
    %dma_start3A_16 = tpu.memref_squeeze %dma_start3A_15 : memref<1x400x64xf32, #tpu.memory_space<vmem>> -> memref<400x64xf32, #tpu.memory_space<vmem>>
    %dma_start3A_17 = arith.constant 400 : i32
    %dma_start3A_18 = tpu.memref_slice %arg5[%dma_start3A_17] : memref<25600xi32, #tpu.memory_space<vmem>> -> memref<400xi32, #tpu.memory_space<vmem>>
    %dma_start3A_19 = arith.constant 0 : i32
    %dma_start3A_20 = arith.constant 0 : i32
    %dma_start3A_21 = tpu.memref_slice %arg2[%dma_start3A_19, %dma_start3A_20] : memref<2000000x64xf32, #tpu.memory_space<hbm>> -> memref<2000000x64xf32, #tpu.memory_space<hbm>>
    tpu.enqueue_indirect_dma source(%dma_start3A_21 : memref<2000000x64xf32, #tpu.memory_space<hbm>>) target(%dma_start3A_16 : memref<400x64xf32, #tpu.memory_space<vmem>>) offsets(%dma_start3A_18 : memref<400xi32, #tpu.memory_space<vmem>>) semaphore(%arg8 : memref<!tpu.dma_semaphore, #tpu.memory_space<semaphore_mem>>)
    %scan3A = arith.constant 0 : i32
    %scan3A_22 = arith.constant 0 : i32
    %scan3A_23 = arith.constant 16 : i32
    %scan3A_24 = arith.addi %scan3A_22, %scan3A_23 : i32
    %scan3A_25 = arith.constant 1 : i32
    %scan3A_26 = scf.for %scan3A_87 = %scan3A_22 to %scan3A_24 step %scan3A_25 iter_args(%scan3A_88 = %scan3A) -> (i32)  : i32 {
      %mul3A_89 = arith.constant 4 : i32
      %mul3A_90 = arith.muli %scan3A_87, %mul3A_89 : i32
      %add3A_91 = arith.constant 0 : i32
      %add3A_92 = arith.addi %mul3A_90, %add3A_91 : i32
      %add3A_93 = arith.constant 2 : i32
      %add3A_94 = arith.addi %add3A_92, %add3A_93 : i32
      %lt3A = arith.constant 64 : i32
      %lt3A_95 = arith.cmpi slt, %add3A_94, %lt3A : i32
      %convert_element_type3A = arith.extui %lt3A_95 : i1 to i32
      %cond3A = arith.constant 0 : i32
      %cond3A_96 = arith.cmpi ne, %convert_element_type3A, %cond3A : i32
      scf.if %cond3A_96 {
        %ge3A = arith.constant 4 : i32
        %ge3A_250 = arith.cmpi sge, %add3A_94, %ge3A : i32
        %convert_element_type3A_251 = arith.extui %ge3A_250 : i1 to i32
        %cond3A_252 = arith.constant 0 : i32
        %cond3A_253 = arith.cmpi ne, %convert_element_type3A_251, %cond3A_252 : i32
        scf.if %cond3A_253 {
          %sub3A = arith.constant 4 : i32
          %sub3A_265 = arith.subi %add3A_94, %sub3A : i32
          %mul3A_266 = arith.constant 400 : i32
          %mul3A_267 = arith.muli %sub3A_265, %mul3A_266 : i32
          %add3A_268 = arith.addi %mul3A_2, %mul3A_267 : i32
          %dma_wait3A_269 = arith.constant 2 : i32
          %dma_wait3A_270 = arith.constant 0 : i32
          %dma_wait3A_271 = arith.constant 0 : i32
          %dma_wait3A_272 = tpu.memref_slice %arg6[%dma_wait3A_269, %dma_wait3A_270, %dma_wait3A_271] : memref<4x400x64xf32, #tpu.memory_space<vmem>> -> memref<1x400x64xf32, #tpu.memory_space<vmem>>
          %dma_wait3A_273 = tpu.memref_squeeze %dma_wait3A_272 : memref<1x400x64xf32, #tpu.memory_space<vmem>> -> memref<400x64xf32, #tpu.memory_space<vmem>>
          %dma_wait3A_274 = arith.constant 0 : i32
          %dma_wait3A_275 = tpu.memref_slice %arg4[%add3A_268, %dma_wait3A_274] : memref<819200x128xf32, #tpu.memory_space<hbm>> -> memref<400x64xf32, #tpu.memory_space<hbm>>
          %dma_wait3A_276 = arith.constant 0 : i32
          %dma_wait3A_277 = tpu.memref_slice %arg4[%add3A_268, %dma_wait3A_276] : memref<819200x128xf32, #tpu.memory_space<hbm>> -> memref<400x64xf32, #tpu.memory_space<hbm>>
          %dma_wait3A_278 = arith.constant 0 : i32
          %dma_wait3A_279 = arith.constant 0 : i32
          %dma_wait3A_280 = tpu.memref_slice %arg6[%dma_wait3A_269, %dma_wait3A_278, %dma_wait3A_279] : memref<4x400x64xf32, #tpu.memory_space<vmem>> -> memref<1x400x64xf32, #tpu.memory_space<vmem>>
          %dma_wait3A_281 = tpu.memref_squeeze %dma_wait3A_280 : memref<1x400x64xf32, #tpu.memory_space<vmem>> -> memref<400x64xf32, #tpu.memory_space<vmem>>
          tpu.wait_dma2 semaphore(%arg13 : memref<!tpu.dma_semaphore, #tpu.memory_space<semaphore_mem>>) src(%dma_wait3A_281 : memref<400x64xf32, #tpu.memory_space<vmem>>) dst(%dma_wait3A_277 : memref<400x64xf32, #tpu.memory_space<hbm>>)
        } else {
        }
        %mul3A_254 = arith.constant 400 : i32
        %mul3A_255 = arith.muli %add3A_94, %mul3A_254 : i32
        %dma_start3A_256 = arith.constant 2 : i32
        %dma_start3A_257 = arith.constant 0 : i32
        %dma_start3A_258 = arith.constant 0 : i32
        %dma_start3A_259 = tpu.memref_slice %arg6[%dma_start3A_256, %dma_start3A_257, %dma_start3A_258] : memref<4x400x64xf32, #tpu.memory_space<vmem>> -> memref<1x400x64xf32, #tpu.memory_space<vmem>>
        %dma_start3A_260 = tpu.memref_squeeze %dma_start3A_259 : memref<1x400x64xf32, #tpu.memory_space<vmem>> -> memref<400x64xf32, #tpu.memory_space<vmem>>
        %dma_start3A_261 = tpu.memref_slice %arg5[%mul3A_255] : memref<25600xi32, #tpu.memory_space<vmem>> -> memref<400xi32, #tpu.memory_space<vmem>>
        %dma_start3A_262 = arith.constant 0 : i32
        %dma_start3A_263 = arith.constant 0 : i32
        %dma_start3A_264 = tpu.memref_slice %arg2[%dma_start3A_262, %dma_start3A_263] : memref<2000000x64xf32, #tpu.memory_space<hbm>> -> memref<2000000x64xf32, #tpu.memory_space<hbm>>
        tpu.enqueue_indirect_dma source(%dma_start3A_264 : memref<2000000x64xf32, #tpu.memory_space<hbm>>) target(%dma_start3A_260 : memref<400x64xf32, #tpu.memory_space<vmem>>) offsets(%dma_start3A_261 : memref<400xi32, #tpu.memory_space<vmem>>) semaphore(%arg9 : memref<!tpu.dma_semaphore, #tpu.memory_space<semaphore_mem>>)
      } else {
      }
      %mul3A_97 = arith.constant 400 : i32
      %mul3A_98 = arith.muli %add3A_92, %mul3A_97 : i32
      %dma_wait3A_99 = arith.constant 0 : i32
      %dma_wait3A_100 = arith.constant 0 : i32
      %dma_wait3A_101 = arith.constant 0 : i32
      %dma_wait3A_102 = tpu.memref_slice %arg6[%dma_wait3A_99, %dma_wait3A_100, %dma_wait3A_101] : memref<4x400x64xf32, #tpu.memory_space<vmem>> -> memref<1x400x64xf32, #tpu.memory_space<vmem>>
      %dma_wait3A_103 = tpu.memref_squeeze %dma_wait3A_102 : memref<1x400x64xf32, #tpu.memory_space<vmem>> -> memref<400x64xf32, #tpu.memory_space<vmem>>
      %dma_wait3A_104 = tpu.memref_slice %arg5[%mul3A_98] : memref<25600xi32, #tpu.memory_space<vmem>> -> memref<400xi32, #tpu.memory_space<vmem>>
      %dma_wait3A_105 = arith.constant 0 : i32
      %dma_wait3A_106 = arith.constant 0 : i32
      %dma_wait3A_107 = tpu.memref_slice %arg2[%dma_wait3A_105, %dma_wait3A_106] : memref<2000000x64xf32, #tpu.memory_space<hbm>> -> memref<2000000x64xf32, #tpu.memory_space<hbm>>
      tpu.wait_indirect_dma semaphore(%arg7 : memref<!tpu.dma_semaphore, #tpu.memory_space<semaphore_mem>>) src(%dma_wait3A_107 : memref<2000000x64xf32, #tpu.memory_space<hbm>>) dst(%dma_wait3A_103 : memref<400x64xf32, #tpu.memory_space<vmem>>)
      %parallel_loop3A = arith.constant 0 : i32
      %parallel_loop3A_108 = arith.constant 400 : i32
      %parallel_loop3A_109 = arith.constant 1 : i32
      scf.for %parallel_loop3A_250 = %parallel_loop3A to %parallel_loop3A_108 step %parallel_loop3A_109  : i32 {
        %parallel_loop3A_251 = arith.constant 0 : i32
        %parallel_loop3A_252 = arith.index_cast %parallel_loop3A_251 : i32 to index
        %parallel_loop3A_253 = arith.index_cast %parallel_loop3A_250 : i32 to index
        %parallel_loop3A_254 = arith.constant 0 : index
        %parallel_loop3A_255 = tpu.vector_load %arg6[%parallel_loop3A_252, %parallel_loop3A_253, %parallel_loop3A_254] {strides = array<i32>} : memref<4x400x64xf32, #tpu.memory_space<vmem>>, vector<1x1x16xf32>,
        %parallel_loop3A_256 = vector.shape_cast %parallel_loop3A_255 : vector<1x1x16xf32> to vector<16xf32>
        %parallel_loop3A_257 = arith.constant 8.000000e+00 : f32
        %parallel_loop3A_258 = vector.broadcast %parallel_loop3A_257 : f32 to vector<16xf32>
        %parallel_loop3A_259 = arith.mulf %parallel_loop3A_256, %parallel_loop3A_258 : vector<16xf32>
        %parallel_loop3A_260 = arith.constant 0 : i32
        %parallel_loop3A_261 = arith.index_cast %parallel_loop3A_260 : i32 to index
        %parallel_loop3A_262 = arith.index_cast %parallel_loop3A_250 : i32 to index
        %parallel_loop3A_263 = arith.constant 0 : index
        %parallel_loop3A_264 = tpu.vector_load %arg6[%parallel_loop3A_261, %parallel_loop3A_262, %parallel_loop3A_263] {strides = array<i32>} : memref<4x400x64xf32, #tpu.memory_space<vmem>>, vector<1x1x16xf32>,
        %parallel_loop3A_265 = vector.shape_cast %parallel_loop3A_264 : vector<1x1x16xf32> to vector<16xf32>
        %parallel_loop3A_266 = vector.shape_cast %parallel_loop3A_259 : vector<16xf32> to vector<1x1x16xf32>
        tpu.vector_store %arg6[%parallel_loop3A_261, %parallel_loop3A_262, %parallel_loop3A_263], %parallel_loop3A_266 {strides = array<i32>} : memref<4x400x64xf32, #tpu.memory_space<vmem>>, vector<1x1x16xf32>,
        %parallel_loop3A_267 = arith.constant 0 : i32
        %parallel_loop3A_268 = arith.index_cast %parallel_loop3A_267 : i32 to index
        %parallel_loop3A_269 = arith.index_cast %parallel_loop3A_250 : i32 to index
        %parallel_loop3A_270 = arith.constant 16 : index
        %parallel_loop3A_271 = tpu.vector_load %arg6[%parallel_loop3A_268, %parallel_loop3A_269, %parallel_loop3A_270] {strides = array<i32>} : memref<4x400x64xf32, #tpu.memory_space<vmem>>, vector<1x1x16xf32>,
        %parallel_loop3A_272 = vector.shape_cast %parallel_loop3A_271 : vector<1x1x16xf32> to vector<16xf32>
        %parallel_loop3A_273 = arith.constant 8.000000e+00 : f32
        %parallel_loop3A_274 = vector.broadcast %parallel_loop3A_273 : f32 to vector<16xf32>
        %parallel_loop3A_275 = arith.mulf %parallel_loop3A_272, %parallel_loop3A_274 : vector<16xf32>
        %parallel_loop3A_276 = arith.constant 0 : i32
        %parallel_loop3A_277 = arith.index_cast %parallel_loop3A_276 : i32 to index
        %parallel_loop3A_278 = arith.index_cast %parallel_loop3A_250 : i32 to index
        %parallel_loop3A_279 = arith.constant 16 : index
        %parallel_loop3A_280 = tpu.vector_load %arg6[%parallel_loop3A_277, %parallel_loop3A_278, %parallel_loop3A_279] {strides = array<i32>} : memref<4x400x64xf32, #tpu.memory_space<vmem>>, vector<1x1x16xf32>,
        %parallel_loop3A_281 = vector.shape_cast %parallel_loop3A_280 : vector<1x1x16xf32> to vector<16xf32>
        %parallel_loop3A_282 = vector.shape_cast %parallel_loop3A_275 : vector<16xf32> to vector<1x1x16xf32>
        tpu.vector_store %arg6[%parallel_loop3A_277, %parallel_loop3A_278, %parallel_loop3A_279], %parallel_loop3A_282 {strides = array<i32>} : memref<4x400x64xf32, #tpu.memory_space<vmem>>, vector<1x1x16xf32>,
        %parallel_loop3A_283 = arith.constant 0 : i32
        %parallel_loop3A_284 = arith.index_cast %parallel_loop3A_283 : i32 to index
        %parallel_loop3A_285 = arith.index_cast %parallel_loop3A_250 : i32 to index
        %parallel_loop3A_286 = arith.constant 32 : index
        %parallel_loop3A_287 = tpu.vector_load %arg6[%parallel_loop3A_284, %parallel_loop3A_285, %parallel_loop3A_286] {strides = array<i32>} : memref<4x400x64xf32, #tpu.memory_space<vmem>>, vector<1x1x16xf32>,
        %parallel_loop3A_288 = vector.shape_cast %parallel_loop3A_287 : vector<1x1x16xf32> to vector<16xf32>
        %parallel_loop3A_289 = arith.constant 8.000000e+00 : f32
        %parallel_loop3A_290 = vector.broadcast %parallel_loop3A_289 : f32 to vector<16xf32>
        %parallel_loop3A_291 = arith.mulf %parallel_loop3A_288, %parallel_loop3A_290 : vector<16xf32>
        %parallel_loop3A_292 = arith.constant 0 : i32
        %parallel_loop3A_293 = arith.index_cast %parallel_loop3A_292 : i32 to index
        %parallel_loop3A_294 = arith.index_cast %parallel_loop3A_250 : i32 to index
        %parallel_loop3A_295 = arith.constant 32 : index
        %parallel_loop3A_296 = tpu.vector_load %arg6[%parallel_loop3A_293, %parallel_loop3A_294, %parallel_loop3A_295] {strides = array<i32>} : memref<4x400x64xf32, #tpu.memory_space<vmem>>, vector<1x1x16xf32>,
        %parallel_loop3A_297 = vector.shape_cast %parallel_loop3A_296 : vector<1x1x16xf32> to vector<16xf32>
        %parallel_loop3A_298 = vector.shape_cast %parallel_loop3A_291 : vector<16xf32> to vector<1x1x16xf32>
        tpu.vector_store %arg6[%parallel_loop3A_293, %parallel_loop3A_294, %parallel_loop3A_295], %parallel_loop3A_298 {strides = array<i32>} : memref<4x400x64xf32, #tpu.memory_space<vmem>>, vector<1x1x16xf32>,
        %parallel_loop3A_299 = arith.constant 0 : i32
        %parallel_loop3A_300 = arith.index_cast %parallel_loop3A_299 : i32 to index
        %parallel_loop3A_301 = arith.index_cast %parallel_loop3A_250 : i32 to index
        %parallel_loop3A_302 = arith.constant 48 : index
        %parallel_loop3A_303 = tpu.vector_load %arg6[%parallel_loop3A_300, %parallel_loop3A_301, %parallel_loop3A_302] {strides = array<i32>} : memref<4x400x64xf32, #tpu.memory_space<vmem>>, vector<1x1x16xf32>,
        %parallel_loop3A_304 = vector.shape_cast %parallel_loop3A_303 : vector<1x1x16xf32> to vector<16xf32>
        %parallel_loop3A_305 = arith.constant 8.000000e+00 : f32
        %parallel_loop3A_306 = vector.broadcast %parallel_loop3A_305 : f32 to vector<16xf32>
        %parallel_loop3A_307 = arith.mulf %parallel_loop3A_304, %parallel_loop3A_306 : vector<16xf32>
        %parallel_loop3A_308 = arith.constant 0 : i32
        %parallel_loop3A_309 = arith.index_cast %parallel_loop3A_308 : i32 to index
        %parallel_loop3A_310 = arith.index_cast %parallel_loop3A_250 : i32 to index
        %parallel_loop3A_311 = arith.constant 48 : index
        %parallel_loop3A_312 = tpu.vector_load %arg6[%parallel_loop3A_309, %parallel_loop3A_310, %parallel_loop3A_311] {strides = array<i32>} : memref<4x400x64xf32, #tpu.memory_space<vmem>>, vector<1x1x16xf32>,
        %parallel_loop3A_313 = vector.shape_cast %parallel_loop3A_312 : vector<1x1x16xf32> to vector<16xf32>
        %parallel_loop3A_314 = vector.shape_cast %parallel_loop3A_307 : vector<16xf32> to vector<1x1x16xf32>
        tpu.vector_store %arg6[%parallel_loop3A_309, %parallel_loop3A_310, %parallel_loop3A_311], %parallel_loop3A_314 {strides = array<i32>} : memref<4x400x64xf32, #tpu.memory_space<vmem>>, vector<1x1x16xf32>,
      } {sc.loop_unroll_factor = 4 : i64, sc.parallel_access}
      %mul3A_110 = arith.constant 400 : i32
      %mul3A_111 = arith.muli %add3A_92, %mul3A_110 : i32
      %add3A_112 = arith.addi %mul3A_2, %mul3A_111 : i32
      %dma_start3A_113 = arith.constant 0 : i32
      %dma_start3A_114 = arith.constant 0 : i32
      %dma_start3A_115 = arith.constant 0 : i32
      %dma_start3A_116 = tpu.memref_slice %arg6[%dma_start3A_113, %dma_start3A_114, %dma_start3A_115] : memref<4x400x64xf32, #tpu.memory_space<vmem>> -> memref<1x400x64xf32, #tpu.memory_space<vmem>>
      %dma_start3A_117 = tpu.memref_squeeze %dma_start3A_116 : memref<1x400x64xf32, #tpu.memory_space<vmem>> -> memref<400x64xf32, #tpu.memory_space<vmem>>
      %dma_start3A_118 = arith.constant 0 : i32
      %dma_start3A_119 = tpu.memref_slice %arg4[%add3A_112, %dma_start3A_118] : memref<819200x128xf32, #tpu.memory_space<hbm>> -> memref<400x64xf32, #tpu.memory_space<hbm>>
      %dma_start3A_120 = arith.constant 0 : i32
      %dma_start3A_121 = tpu.memref_slice %arg4[%add3A_112, %dma_start3A_120] : memref<819200x128xf32, #tpu.memory_space<hbm>> -> memref<400x64xf32, #tpu.memory_space<hbm>>
      %dma_start3A_122 = arith.constant 0 : i32
      %dma_start3A_123 = arith.constant 0 : i32
      %dma_start3A_124 = tpu.memref_slice %arg6[%dma_start3A_113, %dma_start3A_122, %dma_start3A_123] : memref<4x400x64xf32, #tpu.memory_space<vmem>> -> memref<1x400x64xf32, #tpu.memory_space<vmem>>
      %dma_start3A_125 = tpu.memref_squeeze %dma_start3A_124 : memref<1x400x64xf32, #tpu.memory_space<vmem>> -> memref<400x64xf32, #tpu.memory_space<vmem>>
      tpu.enqueue_dma source(%dma_start3A_125 : memref<400x64xf32, #tpu.memory_space<vmem>>) target(%dma_start3A_121 : memref<400x64xf32, #tpu.memory_space<hbm>>) target_semaphore(%arg11 : memref<!tpu.dma_semaphore, #tpu.memory_space<semaphore_mem>>)
      %mul3A_126 = arith.constant 4 : i32
      %mul3A_127 = arith.muli %scan3A_87, %mul3A_126 : i32
      %add3A_128 = arith.constant 1 : i32
      %add3A_129 = arith.addi %mul3A_127, %add3A_128 : i32
      %add3A_130 = arith.constant 2 : i32
      %add3A_131 = arith.addi %add3A_129, %add3A_130 : i32
      %lt3A_132 = arith.constant 64 : i32
      %lt3A_133 = arith.cmpi slt, %add3A_131, %lt3A_132 : i32
      %convert_element_type3A_134 = arith.extui %lt3A_133 : i1 to i32
      %cond3A_135 = arith.constant 0 : i32
      %cond3A_136 = arith.cmpi ne, %convert_element_type3A_134, %cond3A_135 : i32
      scf.if %cond3A_136 {
        %ge3A = arith.constant 4 : i32
        %ge3A_250 = arith.cmpi sge, %add3A_131, %ge3A : i32
        %convert_element_type3A_251 = arith.extui %ge3A_250 : i1 to i32
        %cond3A_252 = arith.constant 0 : i32
        %cond3A_253 = arith.cmpi ne, %convert_element_type3A_251, %cond3A_252 : i32
        scf.if %cond3A_253 {
          %sub3A = arith.constant 4 : i32
          %sub3A_265 = arith.subi %add3A_131, %sub3A : i32
          %mul3A_266 = arith.constant 400 : i32
          %mul3A_267 = arith.muli %sub3A_265, %mul3A_266 : i32
          %add3A_268 = arith.addi %mul3A_2, %mul3A_267 : i32
          %dma_wait3A_269 = arith.constant 3 : i32
          %dma_wait3A_270 = arith.constant 0 : i32
          %dma_wait3A_271 = arith.constant 0 : i32
          %dma_wait3A_272 = tpu.memref_slice %arg6[%dma_wait3A_269, %dma_wait3A_270, %dma_wait3A_271] : memref<4x400x64xf32, #tpu.memory_space<vmem>> -> memref<1x400x64xf32, #tpu.memory_space<vmem>>
          %dma_wait3A_273 = tpu.memref_squeeze %dma_wait3A_272 : memref<1x400x64xf32, #tpu.memory_space<vmem>> -> memref<400x64xf32, #tpu.memory_space<vmem>>
          %dma_wait3A_274 = arith.constant 0 : i32
          %dma_wait3A_275 = tpu.memref_slice %arg4[%add3A_268, %dma_wait3A_274] : memref<819200x128xf32, #tpu.memory_space<hbm>> -> memref<400x64xf32, #tpu.memory_space<hbm>>
          %dma_wait3A_276 = arith.constant 0 : i32
          %dma_wait3A_277 = tpu.memref_slice %arg4[%add3A_268, %dma_wait3A_276] : memref<819200x128xf32, #tpu.memory_space<hbm>> -> memref<400x64xf32, #tpu.memory_space<hbm>>
          %dma_wait3A_278 = arith.constant 0 : i32
          %dma_wait3A_279 = arith.constant 0 : i32
          %dma_wait3A_280 = tpu.memref_slice %arg6[%dma_wait3A_269, %dma_wait3A_278, %dma_wait3A_279] : memref<4x400x64xf32, #tpu.memory_space<vmem>> -> memref<1x400x64xf32, #tpu.memory_space<vmem>>
          %dma_wait3A_281 = tpu.memref_squeeze %dma_wait3A_280 : memref<1x400x64xf32, #tpu.memory_space<vmem>> -> memref<400x64xf32, #tpu.memory_space<vmem>>
          tpu.wait_dma2 semaphore(%arg14 : memref<!tpu.dma_semaphore, #tpu.memory_space<semaphore_mem>>) src(%dma_wait3A_281 : memref<400x64xf32, #tpu.memory_space<vmem>>) dst(%dma_wait3A_277 : memref<400x64xf32, #tpu.memory_space<hbm>>)
        } else {
        }
        %mul3A_254 = arith.constant 400 : i32
        %mul3A_255 = arith.muli %add3A_131, %mul3A_254 : i32
        %dma_start3A_256 = arith.constant 3 : i32
        %dma_start3A_257 = arith.constant 0 : i32
        %dma_start3A_258 = arith.constant 0 : i32
        %dma_start3A_259 = tpu.memref_slice %arg6[%dma_start3A_256, %dma_start3A_257, %dma_start3A_258] : memref<4x400x64xf32, #tpu.memory_space<vmem>> -> memref<1x400x64xf32, #tpu.memory_space<vmem>>
        %dma_start3A_260 = tpu.memref_squeeze %dma_start3A_259 : memref<1x400x64xf32, #tpu.memory_space<vmem>> -> memref<400x64xf32, #tpu.memory_space<vmem>>
        %dma_start3A_261 = tpu.memref_slice %arg5[%mul3A_255] : memref<25600xi32, #tpu.memory_space<vmem>> -> memref<400xi32, #tpu.memory_space<vmem>>
        %dma_start3A_262 = arith.constant 0 : i32
        %dma_start3A_263 = arith.constant 0 : i32
        %dma_start3A_264 = tpu.memref_slice %arg2[%dma_start3A_262, %dma_start3A_263] : memref<2000000x64xf32, #tpu.memory_space<hbm>> -> memref<2000000x64xf32, #tpu.memory_space<hbm>>
        tpu.enqueue_indirect_dma source(%dma_start3A_264 : memref<2000000x64xf32, #tpu.memory_space<hbm>>) target(%dma_start3A_260 : memref<400x64xf32, #tpu.memory_space<vmem>>) offsets(%dma_start3A_261 : memref<400xi32, #tpu.memory_space<vmem>>) semaphore(%arg10 : memref<!tpu.dma_semaphore, #tpu.memory_space<semaphore_mem>>)
      } else {
      }
      %mul3A_137 = arith.constant 400 : i32
      %mul3A_138 = arith.muli %add3A_129, %mul3A_137 : i32
      %dma_wait3A_139 = arith.constant 1 : i32
      %dma_wait3A_140 = arith.constant 0 : i32
      %dma_wait3A_141 = arith.constant 0 : i32
      %dma_wait3A_142 = tpu.memref_slice %arg6[%dma_wait3A_139, %dma_wait3A_140, %dma_wait3A_141] : memref<4x400x64xf32, #tpu.memory_space<vmem>> -> memref<1x400x64xf32, #tpu.memory_space<vmem>>
      %dma_wait3A_143 = tpu.memref_squeeze %dma_wait3A_142 : memref<1x400x64xf32, #tpu.memory_space<vmem>> -> memref<400x64xf32, #tpu.memory_space<vmem>>
      %dma_wait3A_144 = tpu.memref_slice %arg5[%mul3A_138] : memref<25600xi32, #tpu.memory_space<vmem>> -> memref<400xi32, #tpu.memory_space<vmem>>
      %dma_wait3A_145 = arith.constant 0 : i32
      %dma_wait3A_146 = arith.constant 0 : i32
      %dma_wait3A_147 = tpu.memref_slice %arg2[%dma_wait3A_145, %dma_wait3A_146] : memref<2000000x64xf32, #tpu.memory_space<hbm>> -> memref<2000000x64xf32, #tpu.memory_space<hbm>>
      tpu.wait_indirect_dma semaphore(%arg8 : memref<!tpu.dma_semaphore, #tpu.memory_space<semaphore_mem>>) src(%dma_wait3A_147 : memref<2000000x64xf32, #tpu.memory_space<hbm>>) dst(%dma_wait3A_143 : memref<400x64xf32, #tpu.memory_space<vmem>>)
      %parallel_loop3A_148 = arith.constant 0 : i32
      %parallel_loop3A_149 = arith.constant 400 : i32
      %parallel_loop3A_150 = arith.constant 1 : i32
      scf.for %parallel_loop3A_250 = %parallel_loop3A_148 to %parallel_loop3A_149 step %parallel_loop3A_150  : i32 {
        %parallel_loop3A_251 = arith.constant 1 : i32
        %parallel_loop3A_252 = arith.index_cast %parallel_loop3A_251 : i32 to index
        %parallel_loop3A_253 = arith.index_cast %parallel_loop3A_250 : i32 to index
        %parallel_loop3A_254 = arith.constant 0 : index
        %parallel_loop3A_255 = tpu.vector_load %arg6[%parallel_loop3A_252, %parallel_loop3A_253, %parallel_loop3A_254] {strides = array<i32>} : memref<4x400x64xf32, #tpu.memory_space<vmem>>, vector<1x1x16xf32>,
        %parallel_loop3A_256 = vector.shape_cast %parallel_loop3A_255 : vector<1x1x16xf32> to vector<16xf32>
        %parallel_loop3A_257 = arith.constant 8.000000e+00 : f32
        %parallel_loop3A_258 = vector.broadcast %parallel_loop3A_257 : f32 to vector<16xf32>
        %parallel_loop3A_259 = arith.mulf %parallel_loop3A_256, %parallel_loop3A_258 : vector<16xf32>
        %parallel_loop3A_260 = arith.constant 1 : i32
        %parallel_loop3A_261 = arith.index_cast %parallel_loop3A_260 : i32 to index
        %parallel_loop3A_262 = arith.index_cast %parallel_loop3A_250 : i32 to index
        %parallel_loop3A_263 = arith.constant 0 : index
        %parallel_loop3A_264 = tpu.vector_load %arg6[%parallel_loop3A_261, %parallel_loop3A_262, %parallel_loop3A_263] {strides = array<i32>} : memref<4x400x64xf32, #tpu.memory_space<vmem>>, vector<1x1x16xf32>,
        %parallel_loop3A_265 = vector.shape_cast %parallel_loop3A_264 : vector<1x1x16xf32> to vector<16xf32>
        %parallel_loop3A_266 = vector.shape_cast %parallel_loop3A_259 : vector<16xf32> to vector<1x1x16xf32>
        tpu.vector_store %arg6[%parallel_loop3A_261, %parallel_loop3A_262, %parallel_loop3A_263], %parallel_loop3A_266 {strides = array<i32>} : memref<4x400x64xf32, #tpu.memory_space<vmem>>, vector<1x1x16xf32>,
        %parallel_loop3A_267 = arith.constant 1 : i32
        %parallel_loop3A_268 = arith.index_cast %parallel_loop3A_267 : i32 to index
        %parallel_loop3A_269 = arith.index_cast %parallel_loop3A_250 : i32 to index
        %parallel_loop3A_270 = arith.constant 16 : index
        %parallel_loop3A_271 = tpu.vector_load %arg6[%parallel_loop3A_268, %parallel_loop3A_269, %parallel_loop3A_270] {strides = array<i32>} : memref<4x400x64xf32, #tpu.memory_space<vmem>>, vector<1x1x16xf32>,
        %parallel_loop3A_272 = vector.shape_cast %parallel_loop3A_271 : vector<1x1x16xf32> to vector<16xf32>
        %parallel_loop3A_273 = arith.constant 8.000000e+00 : f32
        %parallel_loop3A_274 = vector.broadcast %parallel_loop3A_273 : f32 to vector<16xf32>
        %parallel_loop3A_275 = arith.mulf %parallel_loop3A_272, %parallel_loop3A_274 : vector<16xf32>
        %parallel_loop3A_276 = arith.constant 1 : i32
        %parallel_loop3A_277 = arith.index_cast %parallel_loop3A_276 : i32 to index
        %parallel_loop3A_278 = arith.index_cast %parallel_loop3A_250 : i32 to index
        %parallel_loop3A_279 = arith.constant 16 : index
        %parallel_loop3A_280 = tpu.vector_load %arg6[%parallel_loop3A_277, %parallel_loop3A_278, %parallel_loop3A_279] {strides = array<i32>} : memref<4x400x64xf32, #tpu.memory_space<vmem>>, vector<1x1x16xf32>,
        %parallel_loop3A_281 = vector.shape_cast %parallel_loop3A_280 : vector<1x1x16xf32> to vector<16xf32>
        %parallel_loop3A_282 = vector.shape_cast %parallel_loop3A_275 : vector<16xf32> to vector<1x1x16xf32>
        tpu.vector_store %arg6[%parallel_loop3A_277, %parallel_loop3A_278, %parallel_loop3A_279], %parallel_loop3A_282 {strides = array<i32>} : memref<4x400x64xf32, #tpu.memory_space<vmem>>, vector<1x1x16xf32>,
        %parallel_loop3A_283 = arith.constant 1 : i32
        %parallel_loop3A_284 = arith.index_cast %parallel_loop3A_283 : i32 to index
        %parallel_loop3A_285 = arith.index_cast %parallel_loop3A_250 : i32 to index
        %parallel_loop3A_286 = arith.constant 32 : index
        %parallel_loop3A_287 = tpu.vector_load %arg6[%parallel_loop3A_284, %parallel_loop3A_285, %parallel_loop3A_286] {strides = array<i32>} : memref<4x400x64xf32, #tpu.memory_space<vmem>>, vector<1x1x16xf32>,
        %parallel_loop3A_288 = vector.shape_cast %parallel_loop3A_287 : vector<1x1x16xf32> to vector<16xf32>
        %parallel_loop3A_289 = arith.constant 8.000000e+00 : f32
        %parallel_loop3A_290 = vector.broadcast %parallel_loop3A_289 : f32 to vector<16xf32>
        %parallel_loop3A_291 = arith.mulf %parallel_loop3A_288, %parallel_loop3A_290 : vector<16xf32>
        %parallel_loop3A_292 = arith.constant 1 : i32
        %parallel_loop3A_293 = arith.index_cast %parallel_loop3A_292 : i32 to index
        %parallel_loop3A_294 = arith.index_cast %parallel_loop3A_250 : i32 to index
        %parallel_loop3A_295 = arith.constant 32 : index
        %parallel_loop3A_296 = tpu.vector_load %arg6[%parallel_loop3A_293, %parallel_loop3A_294, %parallel_loop3A_295] {strides = array<i32>} : memref<4x400x64xf32, #tpu.memory_space<vmem>>, vector<1x1x16xf32>,
        %parallel_loop3A_297 = vector.shape_cast %parallel_loop3A_296 : vector<1x1x16xf32> to vector<16xf32>
        %parallel_loop3A_298 = vector.shape_cast %parallel_loop3A_291 : vector<16xf32> to vector<1x1x16xf32>
        tpu.vector_store %arg6[%parallel_loop3A_293, %parallel_loop3A_294, %parallel_loop3A_295], %parallel_loop3A_298 {strides = array<i32>} : memref<4x400x64xf32, #tpu.memory_space<vmem>>, vector<1x1x16xf32>,
        %parallel_loop3A_299 = arith.constant 1 : i32
        %parallel_loop3A_300 = arith.index_cast %parallel_loop3A_299 : i32 to index
        %parallel_loop3A_301 = arith.index_cast %parallel_loop3A_250 : i32 to index
        %parallel_loop3A_302 = arith.constant 48 : index
        %parallel_loop3A_303 = tpu.vector_load %arg6[%parallel_loop3A_300, %parallel_loop3A_301, %parallel_loop3A_302] {strides = array<i32>} : memref<4x400x64xf32, #tpu.memory_space<vmem>>, vector<1x1x16xf32>,
        %parallel_loop3A_304 = vector.shape_cast %parallel_loop3A_303 : vector<1x1x16xf32> to vector<16xf32>
        %parallel_loop3A_305 = arith.constant 8.000000e+00 : f32
        %parallel_loop3A_306 = vector.broadcast %parallel_loop3A_305 : f32 to vector<16xf32>
        %parallel_loop3A_307 = arith.mulf %parallel_loop3A_304, %parallel_loop3A_306 : vector<16xf32>
        %parallel_loop3A_308 = arith.constant 1 : i32
        %parallel_loop3A_309 = arith.index_cast %parallel_loop3A_308 : i32 to index
        %parallel_loop3A_310 = arith.index_cast %parallel_loop3A_250 : i32 to index
        %parallel_loop3A_311 = arith.constant 48 : index
        %parallel_loop3A_312 = tpu.vector_load %arg6[%parallel_loop3A_309, %parallel_loop3A_310, %parallel_loop3A_311] {strides = array<i32>} : memref<4x400x64xf32, #tpu.memory_space<vmem>>, vector<1x1x16xf32>,
        %parallel_loop3A_313 = vector.shape_cast %parallel_loop3A_312 : vector<1x1x16xf32> to vector<16xf32>
        %parallel_loop3A_314 = vector.shape_cast %parallel_loop3A_307 : vector<16xf32> to vector<1x1x16xf32>
        tpu.vector_store %arg6[%parallel_loop3A_309, %parallel_loop3A_310, %parallel_loop3A_311], %parallel_loop3A_314 {strides = array<i32>} : memref<4x400x64xf32, #tpu.memory_space<vmem>>, vector<1x1x16xf32>,
      } {sc.loop_unroll_factor = 4 : i64, sc.parallel_access}
      %mul3A_151 = arith.constant 400 : i32
      %mul3A_152 = arith.muli %add3A_129, %mul3A_151 : i32
      %add3A_153 = arith.addi %mul3A_2, %mul3A_152 : i32
      %dma_start3A_154 = arith.constant 1 : i32
      %dma_start3A_155 = arith.constant 0 : i32
      %dma_start3A_156 = arith.constant 0 : i32
      %dma_start3A_157 = tpu.memref_slice %arg6[%dma_start3A_154, %dma_start3A_155, %dma_start3A_156] : memref<4x400x64xf32, #tpu.memory_space<vmem>> -> memref<1x400x64xf32, #tpu.memory_space<vmem>>
      %dma_start3A_158 = tpu.memref_squeeze %dma_start3A_157 : memref<1x400x64xf32, #tpu.memory_space<vmem>> -> memref<400x64xf32, #tpu.memory_space<vmem>>
      %dma_start3A_159 = arith.constant 0 : i32
      %dma_start3A_160 = tpu.memref_slice %arg4[%add3A_153, %dma_start3A_159] : memref<819200x128xf32, #tpu.memory_space<hbm>> -> memref<400x64xf32, #tpu.memory_space<hbm>>
      %dma_start3A_161 = arith.constant 0 : i32
      %dma_start3A_162 = tpu.memref_slice %arg4[%add3A_153, %dma_start3A_161] : memref<819200x128xf32, #tpu.memory_space<hbm>> -> memref<400x64xf32, #tpu.memory_space<hbm>>
      %dma_start3A_163 = arith.constant 0 : i32
      %dma_start3A_164 = arith.constant 0 : i32
      %dma_start3A_165 = tpu.memref_slice %arg6[%dma_start3A_154, %dma_start3A_163, %dma_start3A_164] : memref<4x400x64xf32, #tpu.memory_space<vmem>> -> memref<1x400x64xf32, #tpu.memory_space<vmem>>
      %dma_start3A_166 = tpu.memref_squeeze %dma_start3A_165 : memref<1x400x64xf32, #tpu.memory_space<vmem>> -> memref<400x64xf32, #tpu.memory_space<vmem>>
      tpu.enqueue_dma source(%dma_start3A_166 : memref<400x64xf32, #tpu.memory_space<vmem>>) target(%dma_start3A_162 : memref<400x64xf32, #tpu.memory_space<hbm>>) target_semaphore(%arg12 : memref<!tpu.dma_semaphore, #tpu.memory_space<semaphore_mem>>)
      %mul3A_167 = arith.constant 4 : i32
      %mul3A_168 = arith.muli %scan3A_87, %mul3A_167 : i32
      %add3A_169 = arith.constant 2 : i32
      %add3A_170 = arith.addi %mul3A_168, %add3A_169 : i32
      %add3A_171 = arith.constant 2 : i32
      %add3A_172 = arith.addi %add3A_170, %add3A_171 : i32
      %lt3A_173 = arith.constant 64 : i32
      %lt3A_174 = arith.cmpi slt, %add3A_172, %lt3A_173 : i32
      %convert_element_type3A_175 = arith.extui %lt3A_174 : i1 to i32
      %cond3A_176 = arith.constant 0 : i32
      %cond3A_177 = arith.cmpi ne, %convert_element_type3A_175, %cond3A_176 : i32
      scf.if %cond3A_177 {
        %ge3A = arith.constant 4 : i32
        %ge3A_250 = arith.cmpi sge, %add3A_172, %ge3A : i32
        %convert_element_type3A_251 = arith.extui %ge3A_250 : i1 to i32
        %cond3A_252 = arith.constant 0 : i32
        %cond3A_253 = arith.cmpi ne, %convert_element_type3A_251, %cond3A_252 : i32
        scf.if %cond3A_253 {
          %sub3A = arith.constant 4 : i32
          %sub3A_265 = arith.subi %add3A_172, %sub3A : i32
          %mul3A_266 = arith.constant 400 : i32
          %mul3A_267 = arith.muli %sub3A_265, %mul3A_266 : i32
          %add3A_268 = arith.addi %mul3A_2, %mul3A_267 : i32
          %dma_wait3A_269 = arith.constant 0 : i32
          %dma_wait3A_270 = arith.constant 0 : i32
          %dma_wait3A_271 = arith.constant 0 : i32
          %dma_wait3A_272 = tpu.memref_slice %arg6[%dma_wait3A_269, %dma_wait3A_270, %dma_wait3A_271] : memref<4x400x64xf32, #tpu.memory_space<vmem>> -> memref<1x400x64xf32, #tpu.memory_space<vmem>>
          %dma_wait3A_273 = tpu.memref_squeeze %dma_wait3A_272 : memref<1x400x64xf32, #tpu.memory_space<vmem>> -> memref<400x64xf32, #tpu.memory_space<vmem>>
          %dma_wait3A_274 = arith.constant 0 : i32
          %dma_wait3A_275 = tpu.memref_slice %arg4[%add3A_268, %dma_wait3A_274] : memref<819200x128xf32, #tpu.memory_space<hbm>> -> memref<400x64xf32, #tpu.memory_space<hbm>>
          %dma_wait3A_276 = arith.constant 0 : i32
          %dma_wait3A_277 = tpu.memref_slice %arg4[%add3A_268, %dma_wait3A_276] : memref<819200x128xf32, #tpu.memory_space<hbm>> -> memref<400x64xf32, #tpu.memory_space<hbm>>
          %dma_wait3A_278 = arith.constant 0 : i32
          %dma_wait3A_279 = arith.constant 0 : i32
          %dma_wait3A_280 = tpu.memref_slice %arg6[%dma_wait3A_269, %dma_wait3A_278, %dma_wait3A_279] : memref<4x400x64xf32, #tpu.memory_space<vmem>> -> memref<1x400x64xf32, #tpu.memory_space<vmem>>
          %dma_wait3A_281 = tpu.memref_squeeze %dma_wait3A_280 : memref<1x400x64xf32, #tpu.memory_space<vmem>> -> memref<400x64xf32, #tpu.memory_space<vmem>>
          tpu.wait_dma2 semaphore(%arg11 : memref<!tpu.dma_semaphore, #tpu.memory_space<semaphore_mem>>) src(%dma_wait3A_281 : memref<400x64xf32, #tpu.memory_space<vmem>>) dst(%dma_wait3A_277 : memref<400x64xf32, #tpu.memory_space<hbm>>)
        } else {
        }
        %mul3A_254 = arith.constant 400 : i32
        %mul3A_255 = arith.muli %add3A_172, %mul3A_254 : i32
        %dma_start3A_256 = arith.constant 0 : i32
        %dma_start3A_257 = arith.constant 0 : i32
        %dma_start3A_258 = arith.constant 0 : i32
        %dma_start3A_259 = tpu.memref_slice %arg6[%dma_start3A_256, %dma_start3A_257, %dma_start3A_258] : memref<4x400x64xf32, #tpu.memory_space<vmem>> -> memref<1x400x64xf32, #tpu.memory_space<vmem>>
        %dma_start3A_260 = tpu.memref_squeeze %dma_start3A_259 : memref<1x400x64xf32, #tpu.memory_space<vmem>> -> memref<400x64xf32, #tpu.memory_space<vmem>>
        %dma_start3A_261 = tpu.memref_slice %arg5[%mul3A_255] : memref<25600xi32, #tpu.memory_space<vmem>> -> memref<400xi32, #tpu.memory_space<vmem>>
        %dma_start3A_262 = arith.constant 0 : i32
        %dma_start3A_263 = arith.constant 0 : i32
        %dma_start3A_264 = tpu.memref_slice %arg2[%dma_start3A_262, %dma_start3A_263] : memref<2000000x64xf32, #tpu.memory_space<hbm>> -> memref<2000000x64xf32, #tpu.memory_space<hbm>>
        tpu.enqueue_indirect_dma source(%dma_start3A_264 : memref<2000000x64xf32, #tpu.memory_space<hbm>>) target(%dma_start3A_260 : memref<400x64xf32, #tpu.memory_space<vmem>>) offsets(%dma_start3A_261 : memref<400xi32, #tpu.memory_space<vmem>>) semaphore(%arg7 : memref<!tpu.dma_semaphore, #tpu.memory_space<semaphore_mem>>)
      } else {
      }
      %mul3A_178 = arith.constant 400 : i32
      %mul3A_179 = arith.muli %add3A_170, %mul3A_178 : i32
      %dma_wait3A_180 = arith.constant 2 : i32
      %dma_wait3A_181 = arith.constant 0 : i32
      %dma_wait3A_182 = arith.constant 0 : i32
      %dma_wait3A_183 = tpu.memref_slice %arg6[%dma_wait3A_180, %dma_wait3A_181, %dma_wait3A_182] : memref<4x400x64xf32, #tpu.memory_space<vmem>> -> memref<1x400x64xf32, #tpu.memory_space<vmem>>
      %dma_wait3A_184 = tpu.memref_squeeze %dma_wait3A_183 : memref<1x400x64xf32, #tpu.memory_space<vmem>> -> memref<400x64xf32, #tpu.memory_space<vmem>>
      %dma_wait3A_185 = tpu.memref_slice %arg5[%mul3A_179] : memref<25600xi32, #tpu.memory_space<vmem>> -> memref<400xi32, #tpu.memory_space<vmem>>
      %dma_wait3A_186 = arith.constant 0 : i32
      %dma_wait3A_187 = arith.constant 0 : i32
      %dma_wait3A_188 = tpu.memref_slice %arg2[%dma_wait3A_186, %dma_wait3A_187] : memref<2000000x64xf32, #tpu.memory_space<hbm>> -> memref<2000000x64xf32, #tpu.memory_space<hbm>>
      tpu.wait_indirect_dma semaphore(%arg9 : memref<!tpu.dma_semaphore, #tpu.memory_space<semaphore_mem>>) src(%dma_wait3A_188 : memref<2000000x64xf32, #tpu.memory_space<hbm>>) dst(%dma_wait3A_184 : memref<400x64xf32, #tpu.memory_space<vmem>>)
      %parallel_loop3A_189 = arith.constant 0 : i32
      %parallel_loop3A_190 = arith.constant 400 : i32
      %parallel_loop3A_191 = arith.constant 1 : i32
      scf.for %parallel_loop3A_250 = %parallel_loop3A_189 to %parallel_loop3A_190 step %parallel_loop3A_191  : i32 {
        %parallel_loop3A_251 = arith.constant 2 : i32
        %parallel_loop3A_252 = arith.index_cast %parallel_loop3A_251 : i32 to index
        %parallel_loop3A_253 = arith.index_cast %parallel_loop3A_250 : i32 to index
        %parallel_loop3A_254 = arith.constant 0 : index
        %parallel_loop3A_255 = tpu.vector_load %arg6[%parallel_loop3A_252, %parallel_loop3A_253, %parallel_loop3A_254] {strides = array<i32>} : memref<4x400x64xf32, #tpu.memory_space<vmem>>, vector<1x1x16xf32>,
        %parallel_loop3A_256 = vector.shape_cast %parallel_loop3A_255 : vector<1x1x16xf32> to vector<16xf32>
        %parallel_loop3A_257 = arith.constant 8.000000e+00 : f32
        %parallel_loop3A_258 = vector.broadcast %parallel_loop3A_257 : f32 to vector<16xf32>
        %parallel_loop3A_259 = arith.mulf %parallel_loop3A_256, %parallel_loop3A_258 : vector<16xf32>
        %parallel_loop3A_260 = arith.constant 2 : i32
        %parallel_loop3A_261 = arith.index_cast %parallel_loop3A_260 : i32 to index
        %parallel_loop3A_262 = arith.index_cast %parallel_loop3A_250 : i32 to index
        %parallel_loop3A_263 = arith.constant 0 : index
        %parallel_loop3A_264 = tpu.vector_load %arg6[%parallel_loop3A_261, %parallel_loop3A_262, %parallel_loop3A_263] {strides = array<i32>} : memref<4x400x64xf32, #tpu.memory_space<vmem>>, vector<1x1x16xf32>,
        %parallel_loop3A_265 = vector.shape_cast %parallel_loop3A_264 : vector<1x1x16xf32> to vector<16xf32>
        %parallel_loop3A_266 = vector.shape_cast %parallel_loop3A_259 : vector<16xf32> to vector<1x1x16xf32>
        tpu.vector_store %arg6[%parallel_loop3A_261, %parallel_loop3A_262, %parallel_loop3A_263], %parallel_loop3A_266 {strides = array<i32>} : memref<4x400x64xf32, #tpu.memory_space<vmem>>, vector<1x1x16xf32>,
        %parallel_loop3A_267 = arith.constant 2 : i32
        %parallel_loop3A_268 = arith.index_cast %parallel_loop3A_267 : i32 to index
        %parallel_loop3A_269 = arith.index_cast %parallel_loop3A_250 : i32 to index
        %parallel_loop3A_270 = arith.constant 16 : index
        %parallel_loop3A_271 = tpu.vector_load %arg6[%parallel_loop3A_268, %parallel_loop3A_269, %parallel_loop3A_270] {strides = array<i32>} : memref<4x400x64xf32, #tpu.memory_space<vmem>>, vector<1x1x16xf32>,
        %parallel_loop3A_272 = vector.shape_cast %parallel_loop3A_271 : vector<1x1x16xf32> to vector<16xf32>
        %parallel_loop3A_273 = arith.constant 8.000000e+00 : f32
        %parallel_loop3A_274 = vector.broadcast %parallel_loop3A_273 : f32 to vector<16xf32>
        %parallel_loop3A_275 = arith.mulf %parallel_loop3A_272, %parallel_loop3A_274 : vector<16xf32>
        %parallel_loop3A_276 = arith.constant 2 : i32
        %parallel_loop3A_277 = arith.index_cast %parallel_loop3A_276 : i32 to index
        %parallel_loop3A_278 = arith.index_cast %parallel_loop3A_250 : i32 to index
        %parallel_loop3A_279 = arith.constant 16 : index
        %parallel_loop3A_280 = tpu.vector_load %arg6[%parallel_loop3A_277, %parallel_loop3A_278, %parallel_loop3A_279] {strides = array<i32>} : memref<4x400x64xf32, #tpu.memory_space<vmem>>, vector<1x1x16xf32>,
        %parallel_loop3A_281 = vector.shape_cast %parallel_loop3A_280 : vector<1x1x16xf32> to vector<16xf32>
        %parallel_loop3A_282 = vector.shape_cast %parallel_loop3A_275 : vector<16xf32> to vector<1x1x16xf32>
        tpu.vector_store %arg6[%parallel_loop3A_277, %parallel_loop3A_278, %parallel_loop3A_279], %parallel_loop3A_282 {strides = array<i32>} : memref<4x400x64xf32, #tpu.memory_space<vmem>>, vector<1x1x16xf32>,
        %parallel_loop3A_283 = arith.constant 2 : i32
        %parallel_loop3A_284 = arith.index_cast %parallel_loop3A_283 : i32 to index
        %parallel_loop3A_285 = arith.index_cast %parallel_loop3A_250 : i32 to index
        %parallel_loop3A_286 = arith.constant 32 : index
        %parallel_loop3A_287 = tpu.vector_load %arg6[%parallel_loop3A_284, %parallel_loop3A_285, %parallel_loop3A_286] {strides = array<i32>} : memref<4x400x64xf32, #tpu.memory_space<vmem>>, vector<1x1x16xf32>,
        %parallel_loop3A_288 = vector.shape_cast %parallel_loop3A_287 : vector<1x1x16xf32> to vector<16xf32>
        %parallel_loop3A_289 = arith.constant 8.000000e+00 : f32
        %parallel_loop3A_290 = vector.broadcast %parallel_loop3A_289 : f32 to vector<16xf32>
        %parallel_loop3A_291 = arith.mulf %parallel_loop3A_288, %parallel_loop3A_290 : vector<16xf32>
        %parallel_loop3A_292 = arith.constant 2 : i32
        %parallel_loop3A_293 = arith.index_cast %parallel_loop3A_292 : i32 to index
        %parallel_loop3A_294 = arith.index_cast %parallel_loop3A_250 : i32 to index
        %parallel_loop3A_295 = arith.constant 32 : index
        %parallel_loop3A_296 = tpu.vector_load %arg6[%parallel_loop3A_293, %parallel_loop3A_294, %parallel_loop3A_295] {strides = array<i32>} : memref<4x400x64xf32, #tpu.memory_space<vmem>>, vector<1x1x16xf32>,
        %parallel_loop3A_297 = vector.shape_cast %parallel_loop3A_296 : vector<1x1x16xf32> to vector<16xf32>
        %parallel_loop3A_298 = vector.shape_cast %parallel_loop3A_291 : vector<16xf32> to vector<1x1x16xf32>
        tpu.vector_store %arg6[%parallel_loop3A_293, %parallel_loop3A_294, %parallel_loop3A_295], %parallel_loop3A_298 {strides = array<i32>} : memref<4x400x64xf32, #tpu.memory_space<vmem>>, vector<1x1x16xf32>,
        %parallel_loop3A_299 = arith.constant 2 : i32
        %parallel_loop3A_300 = arith.index_cast %parallel_loop3A_299 : i32 to index
        %parallel_loop3A_301 = arith.index_cast %parallel_loop3A_250 : i32 to index
        %parallel_loop3A_302 = arith.constant 48 : index
        %parallel_loop3A_303 = tpu.vector_load %arg6[%parallel_loop3A_300, %parallel_loop3A_301, %parallel_loop3A_302] {strides = array<i32>} : memref<4x400x64xf32, #tpu.memory_space<vmem>>, vector<1x1x16xf32>,
        %parallel_loop3A_304 = vector.shape_cast %parallel_loop3A_303 : vector<1x1x16xf32> to vector<16xf32>
        %parallel_loop3A_305 = arith.constant 8.000000e+00 : f32
        %parallel_loop3A_306 = vector.broadcast %parallel_loop3A_305 : f32 to vector<16xf32>
        %parallel_loop3A_307 = arith.mulf %parallel_loop3A_304, %parallel_loop3A_306 : vector<16xf32>
        %parallel_loop3A_308 = arith.constant 2 : i32
        %parallel_loop3A_309 = arith.index_cast %parallel_loop3A_308 : i32 to index
        %parallel_loop3A_310 = arith.index_cast %parallel_loop3A_250 : i32 to index
        %parallel_loop3A_311 = arith.constant 48 : index
        %parallel_loop3A_312 = tpu.vector_load %arg6[%parallel_loop3A_309, %parallel_loop3A_310, %parallel_loop3A_311] {strides = array<i32>} : memref<4x400x64xf32, #tpu.memory_space<vmem>>, vector<1x1x16xf32>,
        %parallel_loop3A_313 = vector.shape_cast %parallel_loop3A_312 : vector<1x1x16xf32> to vector<16xf32>
        %parallel_loop3A_314 = vector.shape_cast %parallel_loop3A_307 : vector<16xf32> to vector<1x1x16xf32>
        tpu.vector_store %arg6[%parallel_loop3A_309, %parallel_loop3A_310, %parallel_loop3A_311], %parallel_loop3A_314 {strides = array<i32>} : memref<4x400x64xf32, #tpu.memory_space<vmem>>, vector<1x1x16xf32>,
      } {sc.loop_unroll_factor = 4 : i64, sc.parallel_access}
      %mul3A_192 = arith.constant 400 : i32
      %mul3A_193 = arith.muli %add3A_170, %mul3A_192 : i32
      %add3A_194 = arith.addi %mul3A_2, %mul3A_193 : i32
      %dma_start3A_195 = arith.constant 2 : i32
      %dma_start3A_196 = arith.constant 0 : i32
      %dma_start3A_197 = arith.constant 0 : i32
      %dma_start3A_198 = tpu.memref_slice %arg6[%dma_start3A_195, %dma_start3A_196, %dma_start3A_197] : memref<4x400x64xf32, #tpu.memory_space<vmem>> -> memref<1x400x64xf32, #tpu.memory_space<vmem>>
      %dma_start3A_199 = tpu.memref_squeeze %dma_start3A_198 : memref<1x400x64xf32, #tpu.memory_space<vmem>> -> memref<400x64xf32, #tpu.memory_space<vmem>>
      %dma_start3A_200 = arith.constant 0 : i32
      %dma_start3A_201 = tpu.memref_slice %arg4[%add3A_194, %dma_start3A_200] : memref<819200x128xf32, #tpu.memory_space<hbm>> -> memref<400x64xf32, #tpu.memory_space<hbm>>
      %dma_start3A_202 = arith.constant 0 : i32
      %dma_start3A_203 = tpu.memref_slice %arg4[%add3A_194, %dma_start3A_202] : memref<819200x128xf32, #tpu.memory_space<hbm>> -> memref<400x64xf32, #tpu.memory_space<hbm>>
      %dma_start3A_204 = arith.constant 0 : i32
      %dma_start3A_205 = arith.constant 0 : i32
      %dma_start3A_206 = tpu.memref_slice %arg6[%dma_start3A_195, %dma_start3A_204, %dma_start3A_205] : memref<4x400x64xf32, #tpu.memory_space<vmem>> -> memref<1x400x64xf32, #tpu.memory_space<vmem>>
      %dma_start3A_207 = tpu.memref_squeeze %dma_start3A_206 : memref<1x400x64xf32, #tpu.memory_space<vmem>> -> memref<400x64xf32, #tpu.memory_space<vmem>>
      tpu.enqueue_dma source(%dma_start3A_207 : memref<400x64xf32, #tpu.memory_space<vmem>>) target(%dma_start3A_203 : memref<400x64xf32, #tpu.memory_space<hbm>>) target_semaphore(%arg13 : memref<!tpu.dma_semaphore, #tpu.memory_space<semaphore_mem>>)
      %mul3A_208 = arith.constant 4 : i32
      %mul3A_209 = arith.muli %scan3A_87, %mul3A_208 : i32
      %add3A_210 = arith.constant 3 : i32
      %add3A_211 = arith.addi %mul3A_209, %add3A_210 : i32
      %add3A_212 = arith.constant 2 : i32
      %add3A_213 = arith.addi %add3A_211, %add3A_212 : i32
      %lt3A_214 = arith.constant 64 : i32
      %lt3A_215 = arith.cmpi slt, %add3A_213, %lt3A_214 : i32
      %convert_element_type3A_216 = arith.extui %lt3A_215 : i1 to i32
      %cond3A_217 = arith.constant 0 : i32
      %cond3A_218 = arith.cmpi ne, %convert_element_type3A_216, %cond3A_217 : i32
      scf.if %cond3A_218 {
        %ge3A = arith.constant 4 : i32
        %ge3A_250 = arith.cmpi sge, %add3A_213, %ge3A : i32
        %convert_element_type3A_251 = arith.extui %ge3A_250 : i1 to i32
        %cond3A_252 = arith.constant 0 : i32
        %cond3A_253 = arith.cmpi ne, %convert_element_type3A_251, %cond3A_252 : i32
        scf.if %cond3A_253 {
          %sub3A = arith.constant 4 : i32
          %sub3A_265 = arith.subi %add3A_213, %sub3A : i32
          %mul3A_266 = arith.constant 400 : i32
          %mul3A_267 = arith.muli %sub3A_265, %mul3A_266 : i32
          %add3A_268 = arith.addi %mul3A_2, %mul3A_267 : i32
          %dma_wait3A_269 = arith.constant 1 : i32
          %dma_wait3A_270 = arith.constant 0 : i32
          %dma_wait3A_271 = arith.constant 0 : i32
          %dma_wait3A_272 = tpu.memref_slice %arg6[%dma_wait3A_269, %dma_wait3A_270, %dma_wait3A_271] : memref<4x400x64xf32, #tpu.memory_space<vmem>> -> memref<1x400x64xf32, #tpu.memory_space<vmem>>
          %dma_wait3A_273 = tpu.memref_squeeze %dma_wait3A_272 : memref<1x400x64xf32, #tpu.memory_space<vmem>> -> memref<400x64xf32, #tpu.memory_space<vmem>>
          %dma_wait3A_274 = arith.constant 0 : i32
          %dma_wait3A_275 = tpu.memref_slice %arg4[%add3A_268, %dma_wait3A_274] : memref<819200x128xf32, #tpu.memory_space<hbm>> -> memref<400x64xf32, #tpu.memory_space<hbm>>
          %dma_wait3A_276 = arith.constant 0 : i32
          %dma_wait3A_277 = tpu.memref_slice %arg4[%add3A_268, %dma_wait3A_276] : memref<819200x128xf32, #tpu.memory_space<hbm>> -> memref<400x64xf32, #tpu.memory_space<hbm>>
          %dma_wait3A_278 = arith.constant 0 : i32
          %dma_wait3A_279 = arith.constant 0 : i32
          %dma_wait3A_280 = tpu.memref_slice %arg6[%dma_wait3A_269, %dma_wait3A_278, %dma_wait3A_279] : memref<4x400x64xf32, #tpu.memory_space<vmem>> -> memref<1x400x64xf32, #tpu.memory_space<vmem>>
          %dma_wait3A_281 = tpu.memref_squeeze %dma_wait3A_280 : memref<1x400x64xf32, #tpu.memory_space<vmem>> -> memref<400x64xf32, #tpu.memory_space<vmem>>
          tpu.wait_dma2 semaphore(%arg12 : memref<!tpu.dma_semaphore, #tpu.memory_space<semaphore_mem>>) src(%dma_wait3A_281 : memref<400x64xf32, #tpu.memory_space<vmem>>) dst(%dma_wait3A_277 : memref<400x64xf32, #tpu.memory_space<hbm>>)
        } else {
        }
        %mul3A_254 = arith.constant 400 : i32
        %mul3A_255 = arith.muli %add3A_213, %mul3A_254 : i32
        %dma_start3A_256 = arith.constant 1 : i32
        %dma_start3A_257 = arith.constant 0 : i32
        %dma_start3A_258 = arith.constant 0 : i32
        %dma_start3A_259 = tpu.memref_slice %arg6[%dma_start3A_256, %dma_start3A_257, %dma_start3A_258] : memref<4x400x64xf32, #tpu.memory_space<vmem>> -> memref<1x400x64xf32, #tpu.memory_space<vmem>>
        %dma_start3A_260 = tpu.memref_squeeze %dma_start3A_259 : memref<1x400x64xf32, #tpu.memory_space<vmem>> -> memref<400x64xf32, #tpu.memory_space<vmem>>
        %dma_start3A_261 = tpu.memref_slice %arg5[%mul3A_255] : memref<25600xi32, #tpu.memory_space<vmem>> -> memref<400xi32, #tpu.memory_space<vmem>>
        %dma_start3A_262 = arith.constant 0 : i32
        %dma_start3A_263 = arith.constant 0 : i32
        %dma_start3A_264 = tpu.memref_slice %arg2[%dma_start3A_262, %dma_start3A_263] : memref<2000000x64xf32, #tpu.memory_space<hbm>> -> memref<2000000x64xf32, #tpu.memory_space<hbm>>
        tpu.enqueue_indirect_dma source(%dma_start3A_264 : memref<2000000x64xf32, #tpu.memory_space<hbm>>) target(%dma_start3A_260 : memref<400x64xf32, #tpu.memory_space<vmem>>) offsets(%dma_start3A_261 : memref<400xi32, #tpu.memory_space<vmem>>) semaphore(%arg8 : memref<!tpu.dma_semaphore, #tpu.memory_space<semaphore_mem>>)
      } else {
      }
      %mul3A_219 = arith.constant 400 : i32
      %mul3A_220 = arith.muli %add3A_211, %mul3A_219 : i32
      %dma_wait3A_221 = arith.constant 3 : i32
      %dma_wait3A_222 = arith.constant 0 : i32
      %dma_wait3A_223 = arith.constant 0 : i32
      %dma_wait3A_224 = tpu.memref_slice %arg6[%dma_wait3A_221, %dma_wait3A_222, %dma_wait3A_223] : memref<4x400x64xf32, #tpu.memory_space<vmem>> -> memref<1x400x64xf32, #tpu.memory_space<vmem>>
      %dma_wait3A_225 = tpu.memref_squeeze %dma_wait3A_224 : memref<1x400x64xf32, #tpu.memory_space<vmem>> -> memref<400x64xf32, #tpu.memory_space<vmem>>
      %dma_wait3A_226 = tpu.memref_slice %arg5[%mul3A_220] : memref<25600xi32, #tpu.memory_space<vmem>> -> memref<400xi32, #tpu.memory_space<vmem>>
      %dma_wait3A_227 = arith.constant 0 : i32
      %dma_wait3A_228 = arith.constant 0 : i32
      %dma_wait3A_229 = tpu.memref_slice %arg2[%dma_wait3A_227, %dma_wait3A_228] : memref<2000000x64xf32, #tpu.memory_space<hbm>> -> memref<2000000x64xf32, #tpu.memory_space<hbm>>
      tpu.wait_indirect_dma semaphore(%arg10 : memref<!tpu.dma_semaphore, #tpu.memory_space<semaphore_mem>>) src(%dma_wait3A_229 : memref<2000000x64xf32, #tpu.memory_space<hbm>>) dst(%dma_wait3A_225 : memref<400x64xf32, #tpu.memory_space<vmem>>)
      %parallel_loop3A_230 = arith.constant 0 : i32
      %parallel_loop3A_231 = arith.constant 400 : i32
      %parallel_loop3A_232 = arith.constant 1 : i32
      scf.for %parallel_loop3A_250 = %parallel_loop3A_230 to %parallel_loop3A_231 step %parallel_loop3A_232  : i32 {
        %parallel_loop3A_251 = arith.constant 3 : i32
        %parallel_loop3A_252 = arith.index_cast %parallel_loop3A_251 : i32 to index
        %parallel_loop3A_253 = arith.index_cast %parallel_loop3A_250 : i32 to index
        %parallel_loop3A_254 = arith.constant 0 : index
        %parallel_loop3A_255 = tpu.vector_load %arg6[%parallel_loop3A_252, %parallel_loop3A_253, %parallel_loop3A_254] {strides = array<i32>} : memref<4x400x64xf32, #tpu.memory_space<vmem>>, vector<1x1x16xf32>,
        %parallel_loop3A_256 = vector.shape_cast %parallel_loop3A_255 : vector<1x1x16xf32> to vector<16xf32>
        %parallel_loop3A_257 = arith.constant 8.000000e+00 : f32
        %parallel_loop3A_258 = vector.broadcast %parallel_loop3A_257 : f32 to vector<16xf32>
        %parallel_loop3A_259 = arith.mulf %parallel_loop3A_256, %parallel_loop3A_258 : vector<16xf32>
        %parallel_loop3A_260 = arith.constant 3 : i32
        %parallel_loop3A_261 = arith.index_cast %parallel_loop3A_260 : i32 to index
        %parallel_loop3A_262 = arith.index_cast %parallel_loop3A_250 : i32 to index
        %parallel_loop3A_263 = arith.constant 0 : index
        %parallel_loop3A_264 = tpu.vector_load %arg6[%parallel_loop3A_261, %parallel_loop3A_262, %parallel_loop3A_263] {strides = array<i32>} : memref<4x400x64xf32, #tpu.memory_space<vmem>>, vector<1x1x16xf32>,
        %parallel_loop3A_265 = vector.shape_cast %parallel_loop3A_264 : vector<1x1x16xf32> to vector<16xf32>
        %parallel_loop3A_266 = vector.shape_cast %parallel_loop3A_259 : vector<16xf32> to vector<1x1x16xf32>
        tpu.vector_store %arg6[%parallel_loop3A_261, %parallel_loop3A_262, %parallel_loop3A_263], %parallel_loop3A_266 {strides = array<i32>} : memref<4x400x64xf32, #tpu.memory_space<vmem>>, vector<1x1x16xf32>,
        %parallel_loop3A_267 = arith.constant 3 : i32
        %parallel_loop3A_268 = arith.index_cast %parallel_loop3A_267 : i32 to index
        %parallel_loop3A_269 = arith.index_cast %parallel_loop3A_250 : i32 to index
        %parallel_loop3A_270 = arith.constant 16 : index
        %parallel_loop3A_271 = tpu.vector_load %arg6[%parallel_loop3A_268, %parallel_loop3A_269, %parallel_loop3A_270] {strides = array<i32>} : memref<4x400x64xf32, #tpu.memory_space<vmem>>, vector<1x1x16xf32>,
        %parallel_loop3A_272 = vector.shape_cast %parallel_loop3A_271 : vector<1x1x16xf32> to vector<16xf32>
        %parallel_loop3A_273 = arith.constant 8.000000e+00 : f32
        %parallel_loop3A_274 = vector.broadcast %parallel_loop3A_273 : f32 to vector<16xf32>
        %parallel_loop3A_275 = arith.mulf %parallel_loop3A_272, %parallel_loop3A_274 : vector<16xf32>
        %parallel_loop3A_276 = arith.constant 3 : i32
        %parallel_loop3A_277 = arith.index_cast %parallel_loop3A_276 : i32 to index
        %parallel_loop3A_278 = arith.index_cast %parallel_loop3A_250 : i32 to index
        %parallel_loop3A_279 = arith.constant 16 : index
        %parallel_loop3A_280 = tpu.vector_load %arg6[%parallel_loop3A_277, %parallel_loop3A_278, %parallel_loop3A_279] {strides = array<i32>} : memref<4x400x64xf32, #tpu.memory_space<vmem>>, vector<1x1x16xf32>,
        %parallel_loop3A_281 = vector.shape_cast %parallel_loop3A_280 : vector<1x1x16xf32> to vector<16xf32>
        %parallel_loop3A_282 = vector.shape_cast %parallel_loop3A_275 : vector<16xf32> to vector<1x1x16xf32>
        tpu.vector_store %arg6[%parallel_loop3A_277, %parallel_loop3A_278, %parallel_loop3A_279], %parallel_loop3A_282 {strides = array<i32>} : memref<4x400x64xf32, #tpu.memory_space<vmem>>, vector<1x1x16xf32>,
        %parallel_loop3A_283 = arith.constant 3 : i32
        %parallel_loop3A_284 = arith.index_cast %parallel_loop3A_283 : i32 to index
        %parallel_loop3A_285 = arith.index_cast %parallel_loop3A_250 : i32 to index
        %parallel_loop3A_286 = arith.constant 32 : index
        %parallel_loop3A_287 = tpu.vector_load %arg6[%parallel_loop3A_284, %parallel_loop3A_285, %parallel_loop3A_286] {strides = array<i32>} : memref<4x400x64xf32, #tpu.memory_space<vmem>>, vector<1x1x16xf32>,
        %parallel_loop3A_288 = vector.shape_cast %parallel_loop3A_287 : vector<1x1x16xf32> to vector<16xf32>
        %parallel_loop3A_289 = arith.constant 8.000000e+00 : f32
        %parallel_loop3A_290 = vector.broadcast %parallel_loop3A_289 : f32 to vector<16xf32>
        %parallel_loop3A_291 = arith.mulf %parallel_loop3A_288, %parallel_loop3A_290 : vector<16xf32>
        %parallel_loop3A_292 = arith.constant 3 : i32
        %parallel_loop3A_293 = arith.index_cast %parallel_loop3A_292 : i32 to index
        %parallel_loop3A_294 = arith.index_cast %parallel_loop3A_250 : i32 to index
        %parallel_loop3A_295 = arith.constant 32 : index
        %parallel_loop3A_296 = tpu.vector_load %arg6[%parallel_loop3A_293, %parallel_loop3A_294, %parallel_loop3A_295] {strides = array<i32>} : memref<4x400x64xf32, #tpu.memory_space<vmem>>, vector<1x1x16xf32>,
        %parallel_loop3A_297 = vector.shape_cast %parallel_loop3A_296 : vector<1x1x16xf32> to vector<16xf32>
        %parallel_loop3A_298 = vector.shape_cast %parallel_loop3A_291 : vector<16xf32> to vector<1x1x16xf32>
        tpu.vector_store %arg6[%parallel_loop3A_293, %parallel_loop3A_294, %parallel_loop3A_295], %parallel_loop3A_298 {strides = array<i32>} : memref<4x400x64xf32, #tpu.memory_space<vmem>>, vector<1x1x16xf32>,
        %parallel_loop3A_299 = arith.constant 3 : i32
        %parallel_loop3A_300 = arith.index_cast %parallel_loop3A_299 : i32 to index
        %parallel_loop3A_301 = arith.index_cast %parallel_loop3A_250 : i32 to index
        %parallel_loop3A_302 = arith.constant 48 : index
        %parallel_loop3A_303 = tpu.vector_load %arg6[%parallel_loop3A_300, %parallel_loop3A_301, %parallel_loop3A_302] {strides = array<i32>} : memref<4x400x64xf32, #tpu.memory_space<vmem>>, vector<1x1x16xf32>,
        %parallel_loop3A_304 = vector.shape_cast %parallel_loop3A_303 : vector<1x1x16xf32> to vector<16xf32>
        %parallel_loop3A_305 = arith.constant 8.000000e+00 : f32
        %parallel_loop3A_306 = vector.broadcast %parallel_loop3A_305 : f32 to vector<16xf32>
        %parallel_loop3A_307 = arith.mulf %parallel_loop3A_304, %parallel_loop3A_306 : vector<16xf32>
        %parallel_loop3A_308 = arith.constant 3 : i32
        %parallel_loop3A_309 = arith.index_cast %parallel_loop3A_308 : i32 to index
        %parallel_loop3A_310 = arith.index_cast %parallel_loop3A_250 : i32 to index
        %parallel_loop3A_311 = arith.constant 48 : index
        %parallel_loop3A_312 = tpu.vector_load %arg6[%parallel_loop3A_309, %parallel_loop3A_310, %parallel_loop3A_311] {strides = array<i32>} : memref<4x400x64xf32, #tpu.memory_space<vmem>>, vector<1x1x16xf32>,
        %parallel_loop3A_313 = vector.shape_cast %parallel_loop3A_312 : vector<1x1x16xf32> to vector<16xf32>
        %parallel_loop3A_314 = vector.shape_cast %parallel_loop3A_307 : vector<16xf32> to vector<1x1x16xf32>
        tpu.vector_store %arg6[%parallel_loop3A_309, %parallel_loop3A_310, %parallel_loop3A_311], %parallel_loop3A_314 {strides = array<i32>} : memref<4x400x64xf32, #tpu.memory_space<vmem>>, vector<1x1x16xf32>,
      } {sc.loop_unroll_factor = 4 : i64, sc.parallel_access}
      %mul3A_233 = arith.constant 400 : i32
      %mul3A_234 = arith.muli %add3A_211, %mul3A_233 : i32
      %add3A_235 = arith.addi %mul3A_2, %mul3A_234 : i32
      %dma_start3A_236 = arith.constant 3 : i32
      %dma_start3A_237 = arith.constant 0 : i32
      %dma_start3A_238 = arith.constant 0 : i32
      %dma_start3A_239 = tpu.memref_slice %arg6[%dma_start3A_236, %dma_start3A_237, %dma_start3A_238] : memref<4x400x64xf32, #tpu.memory_space<vmem>> -> memref<1x400x64xf32, #tpu.memory_space<vmem>>
      %dma_start3A_240 = tpu.memref_squeeze %dma_start3A_239 : memref<1x400x64xf32, #tpu.memory_space<vmem>> -> memref<400x64xf32, #tpu.memory_space<vmem>>
      %dma_start3A_241 = arith.constant 0 : i32
      %dma_start3A_242 = tpu.memref_slice %arg4[%add3A_235, %dma_start3A_241] : memref<819200x128xf32, #tpu.memory_space<hbm>> -> memref<400x64xf32, #tpu.memory_space<hbm>>
      %dma_start3A_243 = arith.constant 0 : i32
      %dma_start3A_244 = tpu.memref_slice %arg4[%add3A_235, %dma_start3A_243] : memref<819200x128xf32, #tpu.memory_space<hbm>> -> memref<400x64xf32, #tpu.memory_space<hbm>>
      %dma_start3A_245 = arith.constant 0 : i32
      %dma_start3A_246 = arith.constant 0 : i32
      %dma_start3A_247 = tpu.memref_slice %arg6[%dma_start3A_236, %dma_start3A_245, %dma_start3A_246] : memref<4x400x64xf32, #tpu.memory_space<vmem>> -> memref<1x400x64xf32, #tpu.memory_space<vmem>>
      %dma_start3A_248 = tpu.memref_squeeze %dma_start3A_247 : memref<1x400x64xf32, #tpu.memory_space<vmem>> -> memref<400x64xf32, #tpu.memory_space<vmem>>
      tpu.enqueue_dma source(%dma_start3A_248 : memref<400x64xf32, #tpu.memory_space<vmem>>) target(%dma_start3A_244 : memref<400x64xf32, #tpu.memory_space<hbm>>) target_semaphore(%arg14 : memref<!tpu.dma_semaphore, #tpu.memory_space<semaphore_mem>>)
      %scan3A_249 = arith.constant 0 : i32
      scf.yield %scan3A_249 : i32
    }
    %scan3A_27 = arith.constant 16 : i32
    %add3A_28 = arith.constant 24000 : i32
    %add3A_29 = arith.addi %mul3A_2, %add3A_28 : i32
    %dma_wait3A = arith.constant 0 : i32
    %dma_wait3A_30 = arith.constant 0 : i32
    %dma_wait3A_31 = arith.constant 0 : i32
    %dma_wait3A_32 = tpu.memref_slice %arg6[%dma_wait3A, %dma_wait3A_30, %dma_wait3A_31] : memref<4x400x64xf32, #tpu.memory_space<vmem>> -> memref<1x400x64xf32, #tpu.memory_space<vmem>>
    %dma_wait3A_33 = tpu.memref_squeeze %dma_wait3A_32 : memref<1x400x64xf32, #tpu.memory_space<vmem>> -> memref<400x64xf32, #tpu.memory_space<vmem>>
    %dma_wait3A_34 = arith.constant 0 : i32
    %dma_wait3A_35 = tpu.memref_slice %arg4[%add3A_29, %dma_wait3A_34] : memref<819200x128xf32, #tpu.memory_space<hbm>> -> memref<400x64xf32, #tpu.memory_space<hbm>>
    %dma_wait3A_36 = arith.constant 0 : i32
    %dma_wait3A_37 = tpu.memref_slice %arg4[%add3A_29, %dma_wait3A_36] : memref<819200x128xf32, #tpu.memory_space<hbm>> -> memref<400x64xf32, #tpu.memory_space<hbm>>
    %dma_wait3A_38 = arith.constant 0 : i32
    %dma_wait3A_39 = arith.constant 0 : i32
    %dma_wait3A_40 = tpu.memref_slice %arg6[%dma_wait3A, %dma_wait3A_38, %dma_wait3A_39] : memref<4x400x64xf32, #tpu.memory_space<vmem>> -> memref<1x400x64xf32, #tpu.memory_space<vmem>>
    %dma_wait3A_41 = tpu.memref_squeeze %dma_wait3A_40 : memref<1x400x64xf32, #tpu.memory_space<vmem>> -> memref<400x64xf32, #tpu.memory_space<vmem>>
    tpu.wait_dma2 semaphore(%arg11 : memref<!tpu.dma_semaphore, #tpu.memory_space<semaphore_mem>>) src(%dma_wait3A_41 : memref<400x64xf32, #tpu.memory_space<vmem>>) dst(%dma_wait3A_37 : memref<400x64xf32, #tpu.memory_space<hbm>>)
    %add3A_42 = arith.constant 24400 : i32
    %add3A_43 = arith.addi %mul3A_2, %add3A_42 : i32
    %dma_wait3A_44 = arith.constant 1 : i32
    %dma_wait3A_45 = arith.constant 0 : i32
    %dma_wait3A_46 = arith.constant 0 : i32
    %dma_wait3A_47 = tpu.memref_slice %arg6[%dma_wait3A_44, %dma_wait3A_45, %dma_wait3A_46] : memref<4x400x64xf32, #tpu.memory_space<vmem>> -> memref<1x400x64xf32, #tpu.memory_space<vmem>>
    %dma_wait3A_48 = tpu.memref_squeeze %dma_wait3A_47 : memref<1x400x64xf32, #tpu.memory_space<vmem>> -> memref<400x64xf32, #tpu.memory_space<vmem>>
    %dma_wait3A_49 = arith.constant 0 : i32
    %dma_wait3A_50 = tpu.memref_slice %arg4[%add3A_43, %dma_wait3A_49] : memref<819200x128xf32, #tpu.memory_space<hbm>> -> memref<400x64xf32, #tpu.memory_space<hbm>>
    %dma_wait3A_51 = arith.constant 0 : i32
    %dma_wait3A_52 = tpu.memref_slice %arg4[%add3A_43, %dma_wait3A_51] : memref<819200x128xf32, #tpu.memory_space<hbm>> -> memref<400x64xf32, #tpu.memory_space<hbm>>
    %dma_wait3A_53 = arith.constant 0 : i32
    %dma_wait3A_54 = arith.constant 0 : i32
    %dma_wait3A_55 = tpu.memref_slice %arg6[%dma_wait3A_44, %dma_wait3A_53, %dma_wait3A_54] : memref<4x400x64xf32, #tpu.memory_space<vmem>> -> memref<1x400x64xf32, #tpu.memory_space<vmem>>
    %dma_wait3A_56 = tpu.memref_squeeze %dma_wait3A_55 : memref<1x400x64xf32, #tpu.memory_space<vmem>> -> memref<400x64xf32, #tpu.memory_space<vmem>>
    tpu.wait_dma2 semaphore(%arg12 : memref<!tpu.dma_semaphore, #tpu.memory_space<semaphore_mem>>) src(%dma_wait3A_56 : memref<400x64xf32, #tpu.memory_space<vmem>>) dst(%dma_wait3A_52 : memref<400x64xf32, #tpu.memory_space<hbm>>)
    %add3A_57 = arith.constant 24800 : i32
    %add3A_58 = arith.addi %mul3A_2, %add3A_57 : i32
    %dma_wait3A_59 = arith.constant 2 : i32
    %dma_wait3A_60 = arith.constant 0 : i32
    %dma_wait3A_61 = arith.constant 0 : i32
    %dma_wait3A_62 = tpu.memref_slice %arg6[%dma_wait3A_59, %dma_wait3A_60, %dma_wait3A_61] : memref<4x400x64xf32, #tpu.memory_space<vmem>> -> memref<1x400x64xf32, #tpu.memory_space<vmem>>
    %dma_wait3A_63 = tpu.memref_squeeze %dma_wait3A_62 : memref<1x400x64xf32, #tpu.memory_space<vmem>> -> memref<400x64xf32, #tpu.memory_space<vmem>>
    %dma_wait3A_64 = arith.constant 0 : i32
    %dma_wait3A_65 = tpu.memref_slice %arg4[%add3A_58, %dma_wait3A_64] : memref<819200x128xf32, #tpu.memory_space<hbm>> -> memref<400x64xf32, #tpu.memory_space<hbm>>
    %dma_wait3A_66 = arith.constant 0 : i32
    %dma_wait3A_67 = tpu.memref_slice %arg4[%add3A_58, %dma_wait3A_66] : memref<819200x128xf32, #tpu.memory_space<hbm>> -> memref<400x64xf32, #tpu.memory_space<hbm>>
    %dma_wait3A_68 = arith.constant 0 : i32
    %dma_wait3A_69 = arith.constant 0 : i32
    %dma_wait3A_70 = tpu.memref_slice %arg6[%dma_wait3A_59, %dma_wait3A_68, %dma_wait3A_69] : memref<4x400x64xf32, #tpu.memory_space<vmem>> -> memref<1x400x64xf32, #tpu.memory_space<vmem>>
    %dma_wait3A_71 = tpu.memref_squeeze %dma_wait3A_70 : memref<1x400x64xf32, #tpu.memory_space<vmem>> -> memref<400x64xf32, #tpu.memory_space<vmem>>
    tpu.wait_dma2 semaphore(%arg13 : memref<!tpu.dma_semaphore, #tpu.memory_space<semaphore_mem>>) src(%dma_wait3A_71 : memref<400x64xf32, #tpu.memory_space<vmem>>) dst(%dma_wait3A_67 : memref<400x64xf32, #tpu.memory_space<hbm>>)
    %add3A_72 = arith.constant 25200 : i32
    %add3A_73 = arith.addi %mul3A_2, %add3A_72 : i32
    %dma_wait3A_74 = arith.constant 3 : i32
    %dma_wait3A_75 = arith.constant 0 : i32
    %dma_wait3A_76 = arith.constant 0 : i32
    %dma_wait3A_77 = tpu.memref_slice %arg6[%dma_wait3A_74, %dma_wait3A_75, %dma_wait3A_76] : memref<4x400x64xf32, #tpu.memory_space<vmem>> -> memref<1x400x64xf32, #tpu.memory_space<vmem>>
    %dma_wait3A_78 = tpu.memref_squeeze %dma_wait3A_77 : memref<1x400x64xf32, #tpu.memory_space<vmem>> -> memref<400x64xf32, #tpu.memory_space<vmem>>
    %dma_wait3A_79 = arith.constant 0 : i32
    %dma_wait3A_80 = tpu.memref_slice %arg4[%add3A_73, %dma_wait3A_79] : memref<819200x128xf32, #tpu.memory_space<hbm>> -> memref<400x64xf32, #tpu.memory_space<hbm>>
    %dma_wait3A_81 = arith.constant 0 : i32
    %dma_wait3A_82 = tpu.memref_slice %arg4[%add3A_73, %dma_wait3A_81] : memref<819200x128xf32, #tpu.memory_space<hbm>> -> memref<400x64xf32, #tpu.memory_space<hbm>>
    %dma_wait3A_83 = arith.constant 0 : i32
    %dma_wait3A_84 = arith.constant 0 : i32
    %dma_wait3A_85 = tpu.memref_slice %arg6[%dma_wait3A_74, %dma_wait3A_83, %dma_wait3A_84] : memref<4x400x64xf32, #tpu.memory_space<vmem>> -> memref<1x400x64xf32, #tpu.memory_space<vmem>>
    %dma_wait3A_86 = tpu.memref_squeeze %dma_wait3A_85 : memref<1x400x64xf32, #tpu.memory_space<vmem>> -> memref<400x64xf32, #tpu.memory_space<vmem>>
    tpu.wait_dma2 semaphore(%arg14 : memref<!tpu.dma_semaphore, #tpu.memory_space<semaphore_mem>>) src(%dma_wait3A_86 : memref<400x64xf32, #tpu.memory_space<vmem>>) dst(%dma_wait3A_82 : memref<400x64xf32, #tpu.memory_space<hbm>>)
    return
  }
}

</mosaic_0001>

<sc_bundles>
// kernel: _embed.3.cloned.1.call-start
scs
__scs_entry_jumppad:
0x0: {  	(pc) =	sbr.rel $0x88, $3  }
0x1: {  	(tag) =	ssettag $0x0;
	lr =	simm.s32 $0x1  }
0x2: {  	[smem:$0x3F9F] =	sst lr;
	_ =	strace $0xD0000000  }
0x3: {  	_ = 	snop  }
0x4: {  	_ = 	snop  }
0x5: {  	_ = 	snop  }
0x6: {  	_ = 	snop  }
0x7: {  	_ = 	snop  }
__scs_overlays_trampoline_lowered:
0x8: {  	[smem:$0x3FAE] =	sst s0  }
0x9: {  	[smem:$0x3FAF] =	sst s1  }
0xa: {  	[smem:$0x3FB0] =	sst s2  }
0xb: {  	[smem:$0x3FB1] =	sst s3  }
0xc: {  	[smem:$0x3FB2] =	sst s4  }
0xd: {  	[smem:$0x3FB3] =	sst s5  }
0xe: {  	[smem:$0x3FB4] =	sst s6  }
0xf: {  	[smem:$0x3FB5] =	sst s7  }
0x10: {  	[smem:$0x3FB6] =	sst s8  }
0x11: {  	[smem:$0x3FB7] =	sst s9;
	s0 =	simm.s32 @!p0 $0x0  }
0x12: {  	s1 =	sld [smem:$0x3F9D];
	s0 =	simm.s32 @p0 $0x1  }
0x13: {  	[smem:$0x3FB8] =	sst s0;
	s0 =	simm.s32 @!p1 $0x0  }
0x14: {  	s2 =	sld [smem:$0x3F9C];
	s0 =	simm.s32 @p1 $0x1  }
0x15: {  	[smem:$0x3FB9] =	sst s0;
	s0 =	simm.s32 @!p2 $0x0  }
0x16: {  	s3 =	sld [smem:$0x3FDB];
	s0 =	simm.s32 @p2 $0x1  }
0x17: {  	s4 =	simm.s32 $0x1BF5;
	[smem:$0x3FBB] =	sst s0  }
0x18: {  	s0 =	sld [smem:$0x3F9E];
	_ =	swait.ge [sflag:s4], $0x0  }
0x19: {  	s7 =	sld [smem:$0x3F9F]  }
0x1a: {  	s8 =	sadd.s32 $0xFFFFE003, lr  }
0x1b: {  	s9 =	sadd.s32 $0xFFFFFEF7, lr;
	s5 =	simm.s32 $0xFFFFFFFF;
	p2 =	slt.u32 s8, $0xFFFFF086  }
0x1c: {  	p1 =	slt.u32 s9, $0xF7A;
	s5 =	simm.s32 @!p2 $0x0  }
0x1d: {  	s5 =	simm.s32 @p1 $0x1;
	p0 =	seq.s32 s7, s2  }
0x1e: {  	s7 =	smul.u32 @!p0 $0xF7A, s2;
	p2 =	seq.s32 @!p0 s5, $0x0  }
0x1f: {  	s9 =	smul.u32 $0xF7A, s1;
	s8 =	simm.s32 @!p0 $0x1BF5;
	p2 =	por !p2, p0  }
0x20: {  	[sflag:s8] =	ssyncset.s32 @!p0 $0xFFFFF086;
	s6 =	sadd.s32 @!p0 s3, s7;
	s7 =	simm.s32 @!p0 $0x108  }
0x21: {  	s3 =	sadd.s32 s3, s9;
	s6 =	sadd.s32 @!p0 $0x88, s6;
	s7 =	simm.s32 @p2 $0x1082  }
0x22: {  	[simem:s7], [sflag:s8] =	dma.local @!p0 [hbm:s6], $0xF7A  }
0x23: {  	s9 =	sor.u32 $0xD0000000, s2;
	s6 =	simm.s32 $0x108;
	_ =	swait.ge @!p0 [sflag:s8], $0x0  }
0x24: {  	s3 =	sadd.s32 $0x88, s3;
	s6 =	simm.s32 @!p1 $0x1082;
	[sflag:s4] =	ssyncset.s32 $0xFFFFF086  }
0x25: {  	[simem:s6], [sflag:s4] =	dma.local [hbm:s3], $0xF7A  }
0x26: {  	[smem:$0x3F9F] =	sst s1;
	(tag) =	ssettag s2;
	_ =	strace s9  }
0x27: {  	s1 =	sld [smem:$0x3FAF]  }
0x28: {  	s2 =	sld [smem:$0x3FB0]  }
0x29: {  	s4 =	sld [smem:$0x3FB2]  }
0x2a: {  	p0 =	seq.s32 s5, $0x0;
	s5 =	sld [smem:$0x3FB3]  }
0x2b: {  	s6 =	sld [smem:$0x3FB4]  }
0x2c: {  	s7 =	sld [smem:$0x3FB5]  }
0x2d: {  	s3 =	simm.s32 $0x108;
	s8 =	sld [smem:$0x3FB6]  }
0x2e: {  	s3 =	simm.s32 @!p0 $0x1082;
	s9 =	sld [smem:$0x3FB7]  }
0x2f: {  	lr =	sadd.s32 s0, s3;
	s0 =	sld [smem:$0x3FAE]  }
0x30: {  	s3 =	sld [smem:$0x3FB1]  }
0x31: {  	[smem:$0x3FBA] =	sst s10  }
0x32: {  	s10 =	sld [smem:$0x3FB8];
	_ =	sdelay $0x3  }
0x33: {  	p0 =	seq.s32 s10, $0x1;
	s10 =	sld [smem:$0x3FBA];
	_ =	sdelay $0x3  }
0x34: {  	[smem:$0x3FBA] =	sst s10  }
0x35: {  	s10 =	sld [smem:$0x3FB9];
	_ =	sdelay $0x3  }
0x36: {  	p1 =	seq.s32 s10, $0x1;
	s10 =	sld [smem:$0x3FBA];
	_ =	sdelay $0x3  }
0x37: {  	[smem:$0x3FBA] =	sst s10  }
0x38: {  	s10 =	sld [smem:$0x3FBB]  }
0x39: {  	_ = 	snop;
	(pc) =	sbr.ind lr, $3  }
0x3a: {  	_ = 	snop  }
0x3b: {  	_ = 	snop  }
0x3c: {  	p2 =	seq.s32 s10, $0x1;
	s10 =	sld [smem:$0x3FBA]  }
0x3d: {  	_ =	shalt  }
0x3e: {  	_ =	shalt  }
0x3f: {  	_ =	shalt  }
0x40: {  	_ =	shalt  }
0x41: {  	_ =	shalt  }
0x42: {  	_ =	shalt  }
0x43: {  	_ =	shalt  }
0x44: {  	_ =	shalt  }
0x45: {  	_ =	shalt  }
0x46: {  	_ =	shalt  }
0x47: {  	_ =	shalt  }
0x48: {  	_ =	shalt  }
0x49: {  	_ =	shalt  }
0x4a: {  	_ =	shalt  }
0x4b: {  	_ =	shalt  }
0x4c: {  	_ =	shalt  }
0x4d: {  	_ =	shalt  }
0x4e: {  	_ =	shalt  }
0x4f: {  	_ =	shalt  }
0x50: {  	_ =	shalt  }
0x51: {  	_ =	shalt  }
0x52: {  	_ =	shalt  }
0x53: {  	_ =	shalt  }
0x54: {  	_ =	shalt  }
0x55: {  	_ =	shalt  }
0x56: {  	_ =	shalt  }
0x57: {  	_ =	shalt  }
0x58: {  	_ =	shalt  }
0x59: {  	_ =	shalt  }
0x5a: {  	_ =	shalt  }
0x5b: {  	_ =	shalt  }
0x5c: {  	_ =	shalt  }
0x5d: {  	_ =	shalt  }
0x5e: {  	_ =	shalt  }
0x5f: {  	_ =	shalt  }
0x60: {  	_ =	shalt  }
0x61: {  	_ =	shalt  }
0x62: {  	_ =	shalt  }
0x63: {  	_ =	shalt  }
0x64: {  	_ =	shalt  }
0x65: {  	_ =	shalt  }
0x66: {  	_ =	shalt  }
0x67: {  	_ =	shalt  }
0x68: {  	_ =	shalt  }
0x69: {  	_ =	shalt  }
0x6a: {  	_ =	shalt  }
0x6b: {  	_ =	shalt  }
0x6c: {  	_ =	shalt  }
0x6d: {  	_ =	shalt  }
0x6e: {  	_ =	shalt  }
0x6f: {  	_ =	shalt  }
0x70: {  	_ =	shalt  }
0x71: {  	_ =	shalt  }
0x72: {  	_ =	shalt  }
0x73: {  	_ =	shalt  }
0x74: {  	_ =	shalt  }
0x75: {  	_ =	shalt  }
0x76: {  	_ =	shalt  }
0x77: {  	_ =	shalt  }
0x78: {  	_ =	shalt  }
0x79: {  	_ =	shalt  }
0x7a: {  	_ =	shalt  }
0x7b: {  	_ =	shalt  }
0x7c: {  	_ =	shalt  }
0x7d: {  	_ =	shalt  }
0x7e: {  	_ =	shalt  }
0x7f: {  	_ =	shalt  }
0x80: {  	_ =	shalt  }
0x81: {  	_ =	shalt  }
0x82: {  	_ =	shalt  }
0x83: {  	_ =	shalt  }
0x84: {  	_ =	shalt  }
0x85: {  	_ =	shalt  }
0x86: {  	_ =	shalt  }
0x87: {  	_ =	shalt  }
.Lfunc_end0:
.L_simem_size_0:
called_computation_lowered:
.L_overlay_start_0:
0x88: {  	s2 =	sld [smem:$0x3FD9]  }
0x89: {  	s3 =	sld [smem:$0x3FFE];
	_ =	sdelay $0x1  }
0x8a: {  	s1 =	srdreg.scid  }
0x8b: {  	s0 =	sand.u32 $0x1, s1  }
0x8c: {  	s17 =	sshll.u32 s0, $0xA;
	s2 =	sadd.s32 s3, s2  }
0x8d: {  	s2 =	sadd.s32 s2, s17  }
0x8e: {  	[smem:$0x3FC6] =	sst s2  }
0x8f: {  	_ = 	snop  }
0x90: {  	s2 =	sld [smem:$0x3FC9]  }
0x91: {  	s18 =	sld [smem:$0x3FD0];
	(tm) =	ssettm $0x1  }
0x92: {  	s4 =	sld [smem:$0x3FFB];
	_ =	sdelay $0x3  }
0x93: {  	_ =	strace s4  }
0x94: {  	s4 =	sld [smem:$0x3FFC];
	_ =	sdelay $0x3  }
0x95: {  	_ =	strace s4  }
0x96: {  	s4 =	sld [smem:$0x3FFD];
	_ =	sdelay $0x3  }
0x97: {  	_ =	strace s4  }
0x98: {  	_ =	strace $0x8FFFFFFF  }
0x99: {  	s19 =	sld [smem:$0x3FDB];
	_ =	sdelay $0x1  }
0x9a: {  	s5 =	simm.s32 $_scs_section_size  }
0x9b: {  	s6 =	simm.s32 $_size__tile_overlayer_lowered;
	s7 =	simm.s32 $_tile_overlayer_lowered  }
0x9c: {  	s22 =	simm.s32 $0x1BFF;
	s21 =	sshll.u32 s7, $0x1;
	s4 =	sadd.s32 s5, s19  }
0x9d: {  	s8 =	simm.s32 $0x0;
	s20 =	sshll.u32 s6, $0x1;
	s6 =	sadd.s32 s21, s4  }
0x9e: {  	[timem:s8], [sflag:s22] =	dma.local [hbm:s6], s20  }
0x9f: {  	_ =	swait.ge [sflag:s22], s20  }
0xa0: {  	s5 =	ssub.s32 $0x0, s20;
	[sflag:s22] =	ssyncset.done $0x0  }
0xa1: {  	[sflag:s22] =	ssyncadd.s32 s5;
	_ =	sdelay $0x1  }
0xa2: {  	s23 =	simm.s32 $0x1B8B  }
0xa3: {  	_ =	swait.ge [sflag:s23], $0x1  }
0xa4: {  	[sflag:s23] =	ssyncset.done $0x0  }
0xa5: {  	s25 =	simm.s32 $0x1B8E;
	s24 =	sld [smem:$0x3FFE];
	[sflag:s23] =	ssyncadd.s32 $0xFFFFFFFF  }
0xa6: {  	s26 =	simm.s32 $execute0_lowered;
	[smem:$0x3FD2] =	sst s25  }
0xa7: {  	s6 =	sshll.u32 s26, $0x1;
	_ =	strace $0x80000046;
	[dreg:$0x1] =	wrdreg $0xFFFFFFFF  }
0xa8: {  	s28 =	simm.s32 $_size_execute0_lowered;
	s4 =	sadd.s32 s4, s6;
	[dreg:$0x0] =	wrdreg $0x0  }
0xa9: {  	s6 =	sshll.u32 s28, $0x1;
	[dreg:$0x2] =	wrdreg s4  }
0xaa: {  	[dreg:$0x3] =	wrdreg s6  }
0xab: {  	[dreg:$0x4] =	wrdreg $0xC0  }
0xac: {  	_ =	task [dreg:s8], $0x5FFFF  }
0xad: {  	[dreg:$0x1] =	wrdreg $0xFFFFFFFF  }
0xae: {  	[dreg:$0x0] =	wrdreg $0x60  }
0xaf: {  	[dreg:$0x2] =	wrdreg s24  }
0xb0: {  	[dreg:$0x3] =	wrdreg s2  }
0xb1: {  	[dreg:$0x4] =	wrdreg s18  }
0xb2: {  	[dreg:$0x5] =	wrdreg $0x9  }
0xb3: {  	_ =	task.clear_ibuf [dreg:s8], $0x6FFFF;
	_ =	strace $0x90000046  }
0xb4: {  	s29 =	simm.s32 $0x9;
	_ =	strace $0x80000048  }
0xb5: {  	_ =	swait.ge [sflag:s29], $0x1  }
0xb6: {  	[sflag:s29] =	ssyncadd.s32 $0xFFFFFFFF  }
0xb7: {  	_ =	strace $0x90000048  }
0xb8: {  	_ =	sfence  }
0xb9: {  	s30 =	sld [smem:$0x0];
	_ =	sdelay $0x2  }
0xba: {  	s31 =	sshll.u32 s1, $0xD;
	s1 =	sshrl.u32 s1, $0x2  }
0xbb: {  	s3 =	sand.u32 $0x4000, s31;
	s1 =	sadd.s32 s1, s30  }
0xbc: {  	s0 =	sor.u32 s3, s0;
	s1 =	sshll.u32 s1, $0x11  }
0xbd: {  	s0 =	sor.u32 s1, s0  }
0xbe: {  	s0 =	sadd.s32 $0x8F2B, s0  }
0xbf: {  	[sflag:s0] =	ssyncadd.remote.s32 $0x1  }
0xc0: {  	_ =	sfence.sel $0xFFFF  }
0xc1: {  	[dreg:$0x0] =	wrdreg $0xFFFFFFFF;
	(pc) =	sbr.abs _section_cstart, $3  }
0xc2: {  	[dreg:$0x1] =	wrdreg $0xFFFFFFFF  }
0xc3: {  	_ =	task.clear_ibuf [dreg:s8], $0x2FFFF;
	_ =	strace $0x9FFFFFFF  }
0xc4: {  	(tm) =	ssettm $0x7FFFFFFF  }
0xc5: {  	_ =	shalt  }
tec
execute0_lowered:
.L_overlay_start_1:
0x0: {  	(tag) =	ssettag $0x1  }
0x1: {  	s0 =	rddreg [dreg:$0x0]  }
0x2: {  	s1 =	rddreg [dreg:$0x1]  }
0x3: {  	s3 =	srdreg.scid;
	s4 =	stileid.u32  }
0x4: {  	s2 =	rddreg [dreg:$0x2];
	s9 =	simm.s32 $0x9;
	s10 =	simm.s32 $0x190  }
0x5: {  	s11 =	simm.s32 $0x6400;
	s12 =	simm.s32 $0xC800;
	s13 =	simm.s32 $0x12C00  }
0x6: {  	s14 =	simm.s32 $0x1;
	s15 =	simm.s32 $0x40;
	s16 =	simm.s32 $0x80  }
0x7: {  	s17 =	simm.s32 $0x19000;
	s18 =	simm.s32 $0x2;
	s19 =	simm.s32 $0x3  }
0x8: {  	s20 =	simm.s32 $0x4;
	s21 =	simm.s32 $0x5;
	s22 =	simm.s32 $0x6  }
0x9: {  	s23 =	simm.s32 $0x7;
	s5 =	sand.u32 $0x1, s3;
	s4 =	sshll.u32 s4, $0x1  }
0xa: {  	s24 =	simm.s32 $0x8;
	s25 =	simm.s32 $0x0;
	s4 =	sor.u32 s5, s4  }
0xb: {  	s3 =	simm.s32 $0x0;
	s6 =	ssub.s32 $0x2, s5;
	s4 =	smul.u32 $0x6400, s4  }
0xc: {  	[smem:$0x7FF] =	sst s3;
	s5 =	sadd.s32 $0x1E84C00, s0;
	s31 =	sshrl.u32 s6, $0x1  }
0xd: {  	_ =	strace $0x80000047;
	s0 =	ssub.s32 s6, s31;
	s7 =	sshrl.u32 s4, $0x3  }
0xe: {  	s8 =	smax.u32 s0, $0x1;
	s6 =	sadd.s32 s1, s7;
	s7 =	sor.u32 $0x190, s4  }
.LBB2_1:
0xf: {  	[tilespmem:s3], [sflag:$0x9] =	stream.linear.gather [hbm4b:s6+s3], $0x6400, $0x38;
	[tilespmem:$0x1F400] =	vst v63  }
0x10: {  	_ =	swait.ge [sflag:s9], $0x6400  }
0x11: {  	[sflag:s9] =	ssyncset.done $0x0  }
0x12: {  	[sflag:s9] =	ssyncadd.s32 $0xFFFF9C00  }
0x13: {  	[tilespmem:s11], [sflag:$0x1] =	stream.indirect.gather [hbm4b:s5+s10], $0x40, s3, s10, $0xb8;
	[tilespmem:$0x1F400] =	vst v63  }
0x14: {  	s26 =	simm.s32 $0x0  }
0x15: {  	[tilespmem:s12], [sflag:$0x2] =	stream.indirect.gather [hbm4b:s5+s10], $0x40, s10, s10, $0xb8;
	[tilespmem:$0x1F400] =	vst v63  }
.LBB2_2:
0x16: {  	s28 =	sshll.u32 s26, $0x2;
	p0 =	seq.s32 s26, $0x0  }
0x17: {  	s29 =	sor.u32 $0x2, s28;
	s0 =	simm.s32 @!p0 $0x7  }
0x18: {  	_ =	swait.ge @!p0 [sflag:s0], $0x6400;
	s1 =	smul.u32 $0x640, s29  }
0x19: {  	[sflag:s0] =	ssyncset.done @!p0 $0x0  }
0x1a: {  	[sflag:s0] =	ssyncadd.s32 @!p0 $0xFFFF9C00;
	s1 =	sshra.s32 s1, $0x2  }
0x1b: {  	[tilespmem:s13], [sflag:$0x3] =	stream.indirect.gather [hbm4b:s5+s10], $0x40, s1, s10, $0xb8;
	[tilespmem:$0x1F400] =	vst v63  }
0x1c: {  	_ =	swait.ge [sflag:s14], $0x6400  }
0x1d: {  	[sflag:s14] =	ssyncset.done $0x0  }
0x1e: {  	s31 =	simm.s32 $0x6480;
	[sflag:s14] =	ssyncadd.s32 $0xFFFF9C00  }
0x1f: {  	v0 =	vld [tilespmem:s31+$0x70]  }
0x20: {  	v1 =	vld [tilespmem:s31+$0xFFFFFF90]  }
0x21: {  	v2 =	vld [tilespmem:s31+$0xFFFFFFA0]  }
0x22: {  	v3 =	vld [tilespmem:s31+$0xFFFFFFB0]  }
0x23: {  	v4 =	vld [tilespmem:s31+$0xFFFFFFC0]  }
0x24: {  	v5 =	vld [tilespmem:s31+$0xFFFFFFD0];
	v0 =	vmul.f32 $8.000000000e+00, v0  }
0x25: {  	v6 =	vld [tilespmem:s31+$0xFFFFFFE0];
	v1 =	vmul.f32 $8.000000000e+00, v1  }
0x26: {  	v7 =	vld [tilespmem:s31+$0xFFFFFFF0];
	v2 =	vmul.f32 $8.000000000e+00, v2;
	[tilespmem:s31+$0x70] =	vst v0  }
0x27: {  	[tilespmem:s31+$0xFFFFFF90] =	vst v1;
	v0 =	vmul.f32 $8.000000000e+00, v3;
	v3 =	vld [tilespmem:s31+$0x0]  }
0x28: {  	[tilespmem:s31+$0xFFFFFFA0] =	vst v2;
	v1 =	vmul.f32 $8.000000000e+00, v4;
	v4 =	vld [tilespmem:s31+$0x10]  }
0x29: {  	v8 =	vld [tilespmem:s31+$0x20];
	v2 =	vmul.f32 $8.000000000e+00, v5;
	[tilespmem:s31+$0xFFFFFFB0] =	vst v0  }
0x2a: {  	v5 =	vmul.f32 $8.000000000e+00, v6;
	[tilespmem:s31+$0xFFFFFFC0] =	vst v1;
	v0 =	vld [tilespmem:s31+$0x30]  }
0x2b: {  	[tilespmem:s31+$0xFFFFFFD0] =	vst v2;
	v2 =	vmul.f32 $8.000000000e+00, v7;
	v1 =	vld [tilespmem:s31+$0x40]  }
0x2c: {  	[tilespmem:s31+$0xFFFFFFE0] =	vst v5;
	v6 =	vmul.f32 $8.000000000e+00, v3;
	v3 =	vld [tilespmem:s31+$0x50]  }
0x2d: {  	[tilespmem:s31+$0xFFFFFFF0] =	vst v2;
	v2 =	vld [tilespmem:s31+$0x60];
	v5 =	vmul.f32 $8.000000000e+00, v4  }
0x2e: {  	s30 =	simm.s32 $0x0;
	s1 =	simm.s32 $0x6580;
	v4 =	vld [tilespmem:s31+$0xFFFFFF80];
	[tilespmem:s31+$0x0] =	vst v6;
	v6 =	vmul.f32 $8.000000000e+00, v8  }
.LBB2_3:
0x2f: {  	v7 =	vld [tilespmem:s1+$0x70];
	s30 =	sadd.s32 $0x4, s30;
	[tilespmem:s31+$0x10] =	vst v5;
	v0 =	vmul.f32 $8.000000000e+00, v0  }
0x30: {  	v5 =	vld [tilespmem:s1+$0xFFFFFF90];
	p1 =	slt.u32 s30, $0x18C;
	[tilespmem:s31+$0x20] =	vst v6;
	v1 =	vmul.f32 $8.000000000e+00, v1  }
0x31: {  	v6 =	vld [tilespmem:s1+$0xFFFFFFA0];
	[tilespmem:s31+$0x30] =	vst v0;
	v0 =	vmul.f32 $8.000000000e+00, v3  }
0x32: {  	v3 =	vld [tilespmem:s1+$0xFFFFFFB0];
	[tilespmem:s31+$0x40] =	vst v1;
	v1 =	vmul.f32 $8.000000000e+00, v2  }
0x33: {  	v2 =	vld [tilespmem:s1+$0xFFFFFFC0];
	v4 =	vmul.f32 $8.000000000e+00, v4;
	[tilespmem:s31+$0x50] =	vst v0  }
0x34: {  	v0 =	vld [tilespmem:s1+$0xFFFFFFD0];
	v7 =	vmul.f32 $8.000000000e+00, v7;
	[tilespmem:s31+$0x60] =	vst v1  }
0x35: {  	v1 =	vmul.f32 $8.000000000e+00, v5;
	v5 =	vld [tilespmem:s1+$0xFFFFFFE0];
	[tilespmem:s31+$0xFFFFFF80] =	vst v4;
	s31 =	smov.u32 s1  }
0x36: {  	v4 =	vmul.f32 $8.000000000e+00, v6;
	v6 =	vld [tilespmem:s1+$0xFFFFFFF0];
	[tilespmem:s1+$0x70] =	vst v7  }
0x37: {  	[tilespmem:s1+$0xFFFFFF90] =	vst v1;
	v1 =	vmul.f32 $8.000000000e+00, v3;
	v3 =	vld [tilespmem:s1+$0x0]  }
0x38: {  	[tilespmem:s1+$0xFFFFFFA0] =	vst v4;
	v2 =	vmul.f32 $8.000000000e+00, v2;
	v4 =	vld [tilespmem:s1+$0x10]  }
0x39: {  	[tilespmem:s1+$0xFFFFFFB0] =	vst v1;
	v1 =	vmul.f32 $8.000000000e+00, v0;
	v7 =	vld [tilespmem:s1+$0x20]  }
.Ltmp0:
0x3a: {  	[tilespmem:s1+$0xFFFFFFC0] =	vst v2;
	v2 =	vmul.f32 $8.000000000e+00, v5;
	v0 =	vld [tilespmem:s1+$0x30];
	(pc) =	sbr.rel @p1 .LBB2_3-.Ltmp0, $4  }
0x3b: {  	[tilespmem:s1+$0xFFFFFFD0] =	vst v1;
	v5 =	vmul.f32 $8.000000000e+00, v6;
	v1 =	vld [tilespmem:s1+$0x40]  }
0x3c: {  	[tilespmem:s1+$0xFFFFFFE0] =	vst v2;
	v6 =	vmul.f32 $8.000000000e+00, v3;
	v3 =	vld [tilespmem:s1+$0x50]  }
0x3d: {  	[tilespmem:s1+$0xFFFFFFF0] =	vst v5;
	v5 =	vmul.f32 $8.000000000e+00, v4;
	v2 =	vld [tilespmem:s1+$0x60]  }
0x3e: {  	s1 =	sadd.s32 $0x100, s1;
	v4 =	vld [tilespmem:s31+$0xFFFFFF80];
	[tilespmem:s31+$0x0] =	vst v6;
	v6 =	vmul.f32 $8.000000000e+00, v7  }
0x3f: {  	[tilespmem:s31+$0x10] =	vst v5;
	v0 =	vmul.f32 $8.000000000e+00, v0  }
0x40: {  	[tilespmem:s31+$0x20] =	vst v6;
	v1 =	vmul.f32 $8.000000000e+00, v1  }
0x41: {  	s30 =	smul.u32 $0x640, s26;
	[tilespmem:s31+$0x30] =	vst v0;
	v0 =	vmul.f32 $8.000000000e+00, v3  }
0x42: {  	[tilespmem:s31+$0x40] =	vst v1;
	v1 =	vmul.f32 $8.000000000e+00, v2  }
0x43: {  	s0 =	sadd.s32 s4, s30;
	v2 =	vmul.f32 $8.000000000e+00, v4;
	[tilespmem:s31+$0x50] =	vst v0  }
0x44: {  	s0 =	sshll.u32 s0, $0x4;
	[tilespmem:s31+$0x60] =	vst v1  }
0x45: {  	s0 =	sadd.s32 s2, s0;
	[tilespmem:s31+$0xFFFFFF80] =	vst v2  }
0x46: {  	[hbm4b:s0+s15] =	stream.strided.scatter [tilespmem:s11], [sflag:$0x5], $0x6400, s16, s15, $0x38;
	[tilespmem:$0x1F400] =	vst v63  }
0x47: {  	s28 =	sor.u32 $0x3, s28;
	s0 =	simm.s32 @!p0 $0x8  }
0x48: {  	s1 =	smul.u32 $0x640, s28;
	_ =	swait.ge @!p0 [sflag:s0], $0x6400  }
0x49: {  	[sflag:s0] =	ssyncset.done @!p0 $0x0  }
0x4a: {  	s1 =	sshra.s32 s1, $0x2;
	[sflag:s0] =	ssyncadd.s32 @!p0 $0xFFFF9C00  }
0x4b: {  	[tilespmem:s17], [sflag:$0x4] =	stream.indirect.gather [hbm4b:s5+s10], $0x40, s1, s10, $0xb8;
	[tilespmem:$0x1F400] =	vst v63  }
0x4c: {  	_ =	swait.ge [sflag:s18], $0x6400  }
0x4d: {  	[sflag:s18] =	ssyncset.done $0x0  }
0x4e: {  	s31 =	simm.s32 $0xC800;
	[sflag:s18] =	ssyncadd.s32 $0xFFFF9C00  }
0x4f: {  	v0 =	vld [tilespmem:s31+$0xF0]  }
0x50: {  	v1 =	vld [tilespmem:s31+$0x10]  }
0x51: {  	v2 =	vld [tilespmem:s31+$0x20]  }
0x52: {  	v3 =	vld [tilespmem:s31+$0x30]  }
0x53: {  	v4 =	vld [tilespmem:s31+$0x40]  }
0x54: {  	v5 =	vld [tilespmem:s31+$0x50];
	v0 =	vmul.f32 $8.000000000e+00, v0  }
0x55: {  	v6 =	vld [tilespmem:s31+$0x60];
	v1 =	vmul.f32 $8.000000000e+00, v1  }
0x56: {  	v7 =	vld [tilespmem:s31+$0x70];
	v2 =	vmul.f32 $8.000000000e+00, v2;
	[tilespmem:s31+$0xF0] =	vst v0  }
0x57: {  	[tilespmem:s31+$0x10] =	vst v1;
	v0 =	vmul.f32 $8.000000000e+00, v3;
	v3 =	vld [tilespmem:s31+$0x80]  }
0x58: {  	[tilespmem:s31+$0x20] =	vst v2;
	v1 =	vmul.f32 $8.000000000e+00, v4;
	v4 =	vld [tilespmem:s31+$0x90]  }
0x59: {  	v8 =	vld [tilespmem:s31+$0xA0];
	v2 =	vmul.f32 $8.000000000e+00, v5;
	[tilespmem:s31+$0x30] =	vst v0  }
0x5a: {  	v5 =	vmul.f32 $8.000000000e+00, v6;
	[tilespmem:s31+$0x40] =	vst v1;
	v0 =	vld [tilespmem:s31+$0xB0]  }
0x5b: {  	v6 =	vmul.f32 $8.000000000e+00, v7;
	[tilespmem:s31+$0x50] =	vst v2;
	v1 =	vld [tilespmem:s31+$0xC0]  }
0x5c: {  	[tilespmem:s31+$0x60] =	vst v5;
	v2 =	vld [tilespmem:s31+$0xD0];
	v7 =	vmul.f32 $8.000000000e+00, v3  }
0x5d: {  	[tilespmem:s31+$0x70] =	vst v6;
	v3 =	vld [tilespmem:s31+$0xE0];
	v5 =	vmul.f32 $8.000000000e+00, v4  }
0x5e: {  	s0 =	simm.s32 $0xC900;
	s1 =	simm.s32 $0x0;
	v6 =	vmul.f32 $8.000000000e+00, v8;
	v4 =	vld [tilespmem:s31+$0x0];
	[tilespmem:s31+$0x80] =	vst v7  }
.LBB2_5:
0x5f: {  	v7 =	vld [tilespmem:s0+$0xF0];
	s1 =	sadd.s32 $0x4, s1;
	[tilespmem:s31+$0x90] =	vst v5;
	v0 =	vmul.f32 $8.000000000e+00, v0  }
0x60: {  	v5 =	vld [tilespmem:s0+$0x10];
	p0 =	slt.u32 s1, $0x18C;
	[tilespmem:s31+$0xA0] =	vst v6;
	v1 =	vmul.f32 $8.000000000e+00, v1  }
0x61: {  	v6 =	vld [tilespmem:s0+$0x20];
	[tilespmem:s31+$0xB0] =	vst v0;
	v0 =	vmul.f32 $8.000000000e+00, v2  }
0x62: {  	v2 =	vld [tilespmem:s0+$0x30];
	[tilespmem:s31+$0xC0] =	vst v1;
	v1 =	vmul.f32 $8.000000000e+00, v3  }
0x63: {  	v3 =	vld [tilespmem:s0+$0x40];
	v4 =	vmul.f32 $8.000000000e+00, v4;
	[tilespmem:s31+$0xD0] =	vst v0  }
0x64: {  	v0 =	vld [tilespmem:s0+$0x50];
	v7 =	vmul.f32 $8.000000000e+00, v7;
	[tilespmem:s31+$0xE0] =	vst v1  }
0x65: {  	v1 =	vmul.f32 $8.000000000e+00, v5;
	v5 =	vld [tilespmem:s0+$0x60];
	[tilespmem:s31+$0x0] =	vst v4;
	s31 =	smov.u32 s0  }
0x66: {  	v4 =	vmul.f32 $8.000000000e+00, v6;
	v6 =	vld [tilespmem:s0+$0x70];
	[tilespmem:s0+$0xF0] =	vst v7  }
0x67: {  	[tilespmem:s0+$0x10] =	vst v1;
	v1 =	vmul.f32 $8.000000000e+00, v2;
	v2 =	vld [tilespmem:s0+$0x80]  }
0x68: {  	[tilespmem:s0+$0x20] =	vst v4;
	v3 =	vmul.f32 $8.000000000e+00, v3;
	v4 =	vld [tilespmem:s0+$0x90]  }
0x69: {  	[tilespmem:s0+$0x30] =	vst v1;
	v1 =	vmul.f32 $8.000000000e+00, v0;
	v7 =	vld [tilespmem:s0+$0xA0]  }
.Ltmp1:
0x6a: {  	[tilespmem:s0+$0x40] =	vst v3;
	v3 =	vmul.f32 $8.000000000e+00, v5;
	v0 =	vld [tilespmem:s0+$0xB0];
	(pc) =	sbr.rel @p0 .LBB2_5-.Ltmp1, $4  }
0x6b: {  	[tilespmem:s0+$0x50] =	vst v1;
	v5 =	vmul.f32 $8.000000000e+00, v6;
	v1 =	vld [tilespmem:s0+$0xC0]  }
0x6c: {  	[tilespmem:s0+$0x60] =	vst v3;
	v6 =	vmul.f32 $8.000000000e+00, v2;
	v2 =	vld [tilespmem:s0+$0xD0]  }
0x6d: {  	[tilespmem:s0+$0x70] =	vst v5;
	v5 =	vmul.f32 $8.000000000e+00, v4;
	v3 =	vld [tilespmem:s0+$0xE0]  }
0x6e: {  	s0 =	sadd.s32 $0x100, s0;
	v4 =	vld [tilespmem:s31+$0x0];
	[tilespmem:s31+$0x80] =	vst v6;
	v6 =	vmul.f32 $8.000000000e+00, v7  }
0x6f: {  	[tilespmem:s31+$0x90] =	vst v5;
	v0 =	vmul.f32 $8.000000000e+00, v0  }
0x70: {  	[tilespmem:s31+$0xA0] =	vst v6;
	v1 =	vmul.f32 $8.000000000e+00, v1  }
0x71: {  	[tilespmem:s31+$0xB0] =	vst v0;
	v0 =	vmul.f32 $8.000000000e+00, v2  }
0x72: {  	s0 =	sadd.s32 s30, s7;
	[tilespmem:s31+$0xC0] =	vst v1;
	v1 =	vmul.f32 $8.000000000e+00, v3  }
0x73: {  	s0 =	sshll.u32 s0, $0x4;
	v2 =	vmul.f32 $8.000000000e+00, v4;
	[tilespmem:s31+$0xD0] =	vst v0  }
0x74: {  	s0 =	sand.u32 $0x1FFFFD00, s0;
	[tilespmem:s31+$0xE0] =	vst v1  }
0x75: {  	p0 =	seq.s32 s26, $0xF;
	s0 =	sadd.s32 s2, s0;
	[tilespmem:s31+$0x0] =	vst v2  }
0x76: {  	[hbm4b:s0+s15] =	stream.strided.scatter [tilespmem:s12], [sflag:$0x6], $0x6400, s16, s15, $0x38;
	[tilespmem:$0x1F400] =	vst v63  }
0x77: {  	s1 =	smul.u32 @!p0 $0x1900, s26;
	s0 =	simm.s32 @!p0 $0x5  }
0x78: {  	_ =	swait.ge @!p0 [sflag:s0], $0x6400  }
0x79: {  	s30 =	sshra.s32 @!p0 s1, $0x2;
	s1 =	simm.s32 @!p0 $0x190;
	[sflag:s0] =	ssyncset.done @!p0 $0x0  }
0x7a: {  	s31 =	simm.s32 @!p0 $0x6400;
	[sflag:s0] =	ssyncadd.s32 @!p0 $0xFFFF9C00;
	s0 =	sadd.s32 @!p0 $0x640, s30  }
0x7b: {  	[tilespmem:s31], [sflag:$0x1] =	stream.indirect.gather @!p0 [hbm4b:s5+s1], $0x40, s0, s1, $0xb8;
	[tilespmem:$0x1F400] =	vst v63  }
0x7c: {  	_ =	swait.ge [sflag:s19], $0x6400  }
0x7d: {  	[sflag:s19] =	ssyncset.done $0x0  }
0x7e: {  	s31 =	simm.s32 $0x12C00;
	[sflag:s19] =	ssyncadd.s32 $0xFFFF9C00  }
0x7f: {  	v0 =	vld [tilespmem:s31+$0xF0]  }
0x80: {  	v1 =	vld [tilespmem:s31+$0x10]  }
0x81: {  	v2 =	vld [tilespmem:s31+$0x20]  }
0x82: {  	v3 =	vld [tilespmem:s31+$0x30]  }
0x83: {  	v4 =	vld [tilespmem:s31+$0x40]  }
0x84: {  	v5 =	vld [tilespmem:s31+$0x50];
	v0 =	vmul.f32 $8.000000000e+00, v0  }
0x85: {  	v6 =	vld [tilespmem:s31+$0x60];
	v1 =	vmul.f32 $8.000000000e+00, v1  }
0x86: {  	v7 =	vld [tilespmem:s31+$0x70];
	v2 =	vmul.f32 $8.000000000e+00, v2;
	[tilespmem:s31+$0xF0] =	vst v0  }
0x87: {  	[tilespmem:s31+$0x10] =	vst v1;
	v0 =	vmul.f32 $8.000000000e+00, v3;
	v3 =	vld [tilespmem:s31+$0x80]  }
0x88: {  	[tilespmem:s31+$0x20] =	vst v2;
	v1 =	vmul.f32 $8.000000000e+00, v4;
	v4 =	vld [tilespmem:s31+$0x90]  }
0x89: {  	v8 =	vld [tilespmem:s31+$0xA0];
	v2 =	vmul.f32 $8.000000000e+00, v5;
	[tilespmem:s31+$0x30] =	vst v0  }
0x8a: {  	v5 =	vmul.f32 $8.000000000e+00, v6;
	[tilespmem:s31+$0x40] =	vst v1;
	v0 =	vld [tilespmem:s31+$0xB0]  }
0x8b: {  	v6 =	vmul.f32 $8.000000000e+00, v7;
	[tilespmem:s31+$0x50] =	vst v2;
	v1 =	vld [tilespmem:s31+$0xC0]  }
0x8c: {  	[tilespmem:s31+$0x60] =	vst v5;
	v2 =	vld [tilespmem:s31+$0xD0];
	v7 =	vmul.f32 $8.000000000e+00, v3  }
0x8d: {  	[tilespmem:s31+$0x70] =	vst v6;
	v3 =	vld [tilespmem:s31+$0xE0];
	v5 =	vmul.f32 $8.000000000e+00, v4  }
0x8e: {  	s1 =	simm.s32 $0x0;
	s0 =	simm.s32 $0x12D00;
	v6 =	vmul.f32 $8.000000000e+00, v8;
	v4 =	vld [tilespmem:s31+$0x0];
	[tilespmem:s31+$0x80] =	vst v7  }
.LBB2_7:
0x8f: {  	v7 =	vld [tilespmem:s0+$0xF0];
	s1 =	sadd.s32 $0x4, s1;
	[tilespmem:s31+$0x90] =	vst v5;
	v0 =	vmul.f32 $8.000000000e+00, v0  }
0x90: {  	v5 =	vld [tilespmem:s0+$0x10];
	p1 =	slt.u32 s1, $0x18C;
	[tilespmem:s31+$0xA0] =	vst v6;
	v1 =	vmul.f32 $8.000000000e+00, v1  }
0x91: {  	v6 =	vld [tilespmem:s0+$0x20];
	[tilespmem:s31+$0xB0] =	vst v0;
	v0 =	vmul.f32 $8.000000000e+00, v2  }
0x92: {  	v2 =	vld [tilespmem:s0+$0x30];
	[tilespmem:s31+$0xC0] =	vst v1;
	v1 =	vmul.f32 $8.000000000e+00, v3  }
0x93: {  	v3 =	vld [tilespmem:s0+$0x40];
	v4 =	vmul.f32 $8.000000000e+00, v4;
	[tilespmem:s31+$0xD0] =	vst v0  }
0x94: {  	v0 =	vld [tilespmem:s0+$0x50];
	v7 =	vmul.f32 $8.000000000e+00, v7;
	[tilespmem:s31+$0xE0] =	vst v1  }
0x95: {  	v1 =	vmul.f32 $8.000000000e+00, v5;
	v5 =	vld [tilespmem:s0+$0x60];
	[tilespmem:s31+$0x0] =	vst v4;
	s31 =	smov.u32 s0  }
0x96: {  	v4 =	vmul.f32 $8.000000000e+00, v6;
	v6 =	vld [tilespmem:s0+$0x70];
	[tilespmem:s0+$0xF0] =	vst v7  }
0x97: {  	[tilespmem:s0+$0x10] =	vst v1;
	v1 =	vmul.f32 $8.000000000e+00, v2;
	v2 =	vld [tilespmem:s0+$0x80]  }
0x98: {  	[tilespmem:s0+$0x20] =	vst v4;
	v3 =	vmul.f32 $8.000000000e+00, v3;
	v4 =	vld [tilespmem:s0+$0x90]  }
0x99: {  	[tilespmem:s0+$0x30] =	vst v1;
	v1 =	vmul.f32 $8.000000000e+00, v0;
	v7 =	vld [tilespmem:s0+$0xA0]  }
.Ltmp2:
0x9a: {  	[tilespmem:s0+$0x40] =	vst v3;
	v3 =	vmul.f32 $8.000000000e+00, v5;
	v0 =	vld [tilespmem:s0+$0xB0];
	(pc) =	sbr.rel @p1 .LBB2_7-.Ltmp2, $4  }
0x9b: {  	[tilespmem:s0+$0x50] =	vst v1;
	v5 =	vmul.f32 $8.000000000e+00, v6;
	v1 =	vld [tilespmem:s0+$0xC0]  }
0x9c: {  	[tilespmem:s0+$0x60] =	vst v3;
	v6 =	vmul.f32 $8.000000000e+00, v2;
	v2 =	vld [tilespmem:s0+$0xD0]  }
0x9d: {  	[tilespmem:s0+$0x70] =	vst v5;
	v5 =	vmul.f32 $8.000000000e+00, v4;
	v3 =	vld [tilespmem:s0+$0xE0]  }
0x9e: {  	s0 =	sadd.s32 $0x100, s0;
	v4 =	vld [tilespmem:s31+$0x0];
	[tilespmem:s31+$0x80] =	vst v6;
	v6 =	vmul.f32 $8.000000000e+00, v7  }
0x9f: {  	[tilespmem:s31+$0x90] =	vst v5;
	v0 =	vmul.f32 $8.000000000e+00, v0  }
0xa0: {  	s0 =	smul.u32 $0x190, s29;
	[tilespmem:s31+$0xA0] =	vst v6;
	v1 =	vmul.f32 $8.000000000e+00, v1  }
0xa1: {  	[tilespmem:s31+$0xB0] =	vst v0;
	v0 =	vmul.f32 $8.000000000e+00, v2  }
0xa2: {  	s0 =	sadd.s32 s4, s0;
	[tilespmem:s31+$0xC0] =	vst v1;
	v1 =	vmul.f32 $8.000000000e+00, v3  }
0xa3: {  	s0 =	sshll.u32 s0, $0x4;
	v2 =	vmul.f32 $8.000000000e+00, v4;
	[tilespmem:s31+$0xD0] =	vst v0  }
0xa4: {  	s0 =	sand.u32 $0x1FFFFE00, s0;
	[tilespmem:s31+$0xE0] =	vst v1  }
0xa5: {  	s0 =	sadd.s32 s2, s0;
	[tilespmem:s31+$0x0] =	vst v2  }
0xa6: {  	[hbm4b:s0+s15] =	stream.strided.scatter [tilespmem:s13], [sflag:$0x7], $0x6400, s16, s15, $0x38;
	[tilespmem:$0x1F400] =	vst v63  }
0xa7: {  	s0 =	simm.s32 @!p0 $0x6  }
0xa8: {  	_ =	swait.ge @!p0 [sflag:s0], $0x6400  }
0xa9: {  	s1 =	simm.s32 @!p0 $0x190;
	[sflag:s0] =	ssyncset.done @!p0 $0x0  }
0xaa: {  	s29 =	simm.s32 @!p0 $0xC800;
	[sflag:s0] =	ssyncadd.s32 @!p0 $0xFFFF9C00;
	s0 =	sadd.s32 @!p0 $0x7D0, s30  }
0xab: {  	[tilespmem:s29], [sflag:$0x2] =	stream.indirect.gather @!p0 [hbm4b:s5+s1], $0x40, s0, s1, $0xb8;
	[tilespmem:$0x1F400] =	vst v63  }
0xac: {  	_ =	swait.ge [sflag:s20], $0x6400  }
0xad: {  	[sflag:s20] =	ssyncset.done $0x0  }
0xae: {  	s29 =	simm.s32 $0x19000;
	[sflag:s20] =	ssyncadd.s32 $0xFFFF9C00  }
0xaf: {  	v0 =	vld [tilespmem:s29+$0xF0]  }
0xb0: {  	v1 =	vld [tilespmem:s29+$0x10]  }
0xb1: {  	v2 =	vld [tilespmem:s29+$0x20]  }
0xb2: {  	v3 =	vld [tilespmem:s29+$0x30]  }
0xb3: {  	v4 =	vld [tilespmem:s29+$0x40]  }
0xb4: {  	v5 =	vld [tilespmem:s29+$0x50];
	v0 =	vmul.f32 $8.000000000e+00, v0  }
0xb5: {  	v6 =	vld [tilespmem:s29+$0x60];
	v1 =	vmul.f32 $8.000000000e+00, v1  }
0xb6: {  	v7 =	vld [tilespmem:s29+$0x70];
	v2 =	vmul.f32 $8.000000000e+00, v2;
	[tilespmem:s29+$0xF0] =	vst v0  }
0xb7: {  	[tilespmem:s29+$0x10] =	vst v1;
	v0 =	vmul.f32 $8.000000000e+00, v3;
	v3 =	vld [tilespmem:s29+$0x80]  }
0xb8: {  	[tilespmem:s29+$0x20] =	vst v2;
	v1 =	vmul.f32 $8.000000000e+00, v4;
	v4 =	vld [tilespmem:s29+$0x90]  }
0xb9: {  	v8 =	vld [tilespmem:s29+$0xA0];
	v2 =	vmul.f32 $8.000000000e+00, v5;
	[tilespmem:s29+$0x30] =	vst v0  }
0xba: {  	v5 =	vmul.f32 $8.000000000e+00, v6;
	[tilespmem:s29+$0x40] =	vst v1;
	v0 =	vld [tilespmem:s29+$0xB0]  }
0xbb: {  	v6 =	vmul.f32 $8.000000000e+00, v7;
	[tilespmem:s29+$0x50] =	vst v2;
	v1 =	vld [tilespmem:s29+$0xC0]  }
0xbc: {  	[tilespmem:s29+$0x60] =	vst v5;
	v2 =	vld [tilespmem:s29+$0xD0];
	v7 =	vmul.f32 $8.000000000e+00, v3  }
0xbd: {  	[tilespmem:s29+$0x70] =	vst v6;
	v3 =	vld [tilespmem:s29+$0xE0];
	v5 =	vmul.f32 $8.000000000e+00, v4  }
0xbe: {  	s1 =	simm.s32 $0x0;
	s0 =	simm.s32 $0x19100;
	v6 =	vmul.f32 $8.000000000e+00, v8;
	v4 =	vld [tilespmem:s29+$0x0];
	[tilespmem:s29+$0x80] =	vst v7  }
.LBB2_9:
0xbf: {  	v7 =	vld [tilespmem:s0+$0xF0];
	s1 =	sadd.s32 $0x4, s1;
	[tilespmem:s29+$0x90] =	vst v5;
	v0 =	vmul.f32 $8.000000000e+00, v0  }
0xc0: {  	v5 =	vld [tilespmem:s0+$0x10];
	p0 =	slt.u32 s1, $0x18C;
	[tilespmem:s29+$0xA0] =	vst v6;
	v1 =	vmul.f32 $8.000000000e+00, v1  }
0xc1: {  	v6 =	vld [tilespmem:s0+$0x20];
	[tilespmem:s29+$0xB0] =	vst v0;
	v0 =	vmul.f32 $8.000000000e+00, v2  }
0xc2: {  	v2 =	vld [tilespmem:s0+$0x30];
	[tilespmem:s29+$0xC0] =	vst v1;
	v1 =	vmul.f32 $8.000000000e+00, v3  }
0xc3: {  	v3 =	vld [tilespmem:s0+$0x40];
	v4 =	vmul.f32 $8.000000000e+00, v4;
	[tilespmem:s29+$0xD0] =	vst v0  }
0xc4: {  	v0 =	vld [tilespmem:s0+$0x50];
	v7 =	vmul.f32 $8.000000000e+00, v7;
	[tilespmem:s29+$0xE0] =	vst v1  }
0xc5: {  	v1 =	vmul.f32 $8.000000000e+00, v5;
	v5 =	vld [tilespmem:s0+$0x60];
	[tilespmem:s29+$0x0] =	vst v4;
	s29 =	smov.u32 s0  }
0xc6: {  	v4 =	vmul.f32 $8.000000000e+00, v6;
	v6 =	vld [tilespmem:s0+$0x70];
	[tilespmem:s0+$0xF0] =	vst v7  }
0xc7: {  	[tilespmem:s0+$0x10] =	vst v1;
	v1 =	vmul.f32 $8.000000000e+00, v2;
	v2 =	vld [tilespmem:s0+$0x80]  }
0xc8: {  	[tilespmem:s0+$0x20] =	vst v4;
	v3 =	vmul.f32 $8.000000000e+00, v3;
	v4 =	vld [tilespmem:s0+$0x90]  }
0xc9: {  	[tilespmem:s0+$0x30] =	vst v1;
	v1 =	vmul.f32 $8.000000000e+00, v0;
	v7 =	vld [tilespmem:s0+$0xA0]  }
.Ltmp3:
0xca: {  	[tilespmem:s0+$0x40] =	vst v3;
	v3 =	vmul.f32 $8.000000000e+00, v5;
	v0 =	vld [tilespmem:s0+$0xB0];
	(pc) =	sbr.rel @p0 .LBB2_9-.Ltmp3, $4  }
0xcb: {  	[tilespmem:s0+$0x50] =	vst v1;
	v5 =	vmul.f32 $8.000000000e+00, v6;
	v1 =	vld [tilespmem:s0+$0xC0]  }
0xcc: {  	[tilespmem:s0+$0x60] =	vst v3;
	v6 =	vmul.f32 $8.000000000e+00, v2;
	v2 =	vld [tilespmem:s0+$0xD0]  }
0xcd: {  	[tilespmem:s0+$0x70] =	vst v5;
	v5 =	vmul.f32 $8.000000000e+00, v4;
	v3 =	vld [tilespmem:s0+$0xE0]  }
0xce: {  	s0 =	sadd.s32 $0x100, s0;
	v4 =	vld [tilespmem:s29+$0x0];
	[tilespmem:s29+$0x80] =	vst v6;
	v6 =	vmul.f32 $8.000000000e+00, v7  }
0xcf: {  	[tilespmem:s29+$0x90] =	vst v5;
	v0 =	vmul.f32 $8.000000000e+00, v0  }
0xd0: {  	s0 =	smul.u32 $0x190, s28;
	s26 =	sadd.s32 $0x1, s26;
	[tilespmem:s29+$0xA0] =	vst v6;
	v1 =	vmul.f32 $8.000000000e+00, v1  }
0xd1: {  	p0 =	sne.s32 s26, $0x10;
	[tilespmem:s29+$0xB0] =	vst v0;
	v61 =	vmul.f32 $8.000000000e+00, v2  }
.Ltmp4:
0xd2: {  	s0 =	sadd.s32 s4, s0;
	[tilespmem:s29+$0xC0] =	vst v1;
	v62 =	vmul.f32 $8.000000000e+00, v3;
	(pc) =	sbr.rel @p0 .LBB2_2-.Ltmp4, $4  }
0xd3: {  	s0 =	sshll.u32 s0, $0x4;
	v63 =	vmul.f32 $8.000000000e+00, v4;
	[tilespmem:s29+$0xD0] =	vst v61  }
0xd4: {  	s0 =	sand.u32 $0x1FFFFF00, s0;
	[tilespmem:s29+$0xE0] =	vst v62  }
0xd5: {  	s0 =	sadd.s32 s2, s0;
	[tilespmem:s29+$0x0] =	vst v63  }
0xd6: {  	[hbm4b:s0+s15] =	stream.strided.scatter [tilespmem:s17], [sflag:$0x8], $0x6400, s16, s15, $0x38;
	[tilespmem:$0x1F400] =	vst v63  }
0xd7: {  	_ =	swait.ge [sflag:s21], $0x6400  }
0xd8: {  	[sflag:s21] =	ssyncset.done $0x0  }
0xd9: {  	[sflag:s21] =	ssyncadd.s32 $0xFFFF9C00  }
0xda: {  	_ =	swait.ge [sflag:s22], $0x6400  }
0xdb: {  	[sflag:s22] =	ssyncset.done $0x0  }
0xdc: {  	s25 =	sadd.s32 $0x1, s25;
	[sflag:s22] =	ssyncadd.s32 $0xFFFF9C00  }
0xdd: {  	p0 =	sne.s32 s25, s8;
	_ =	swait.ge [sflag:s23], $0x6400  }
.Ltmp5:
0xde: {  	[sflag:s23] =	ssyncset.done $0x0;
	(pc) =	sbr.rel @p0 .LBB2_1-.Ltmp5, $4  }
0xdf: {  	[sflag:s23] =	ssyncadd.s32 $0xFFFF9C00  }
0xe0: {  	_ =	swait.ge [sflag:s24], $0x6400  }
0xe1: {  	[sflag:s24] =	ssyncset.done $0x0  }
0xe2: {  	[sflag:s24] =	ssyncadd.s32 $0xFFFF9C00  }
0xe3: {  	_ =	sfence.sel $0x180000  }
0xe4: {  	[bflag:$0x0] =	sbarrier.arrive $0xFFFF  }
0xe5: {  	_ =	strace $0x90000047  }
0xe6: {  	s0 =	stileid.u32;
	[bflag:$0x2] =	sbarrier.arrive $0xFFFF  }
0xe7: {  	p0 =	sne.s32 s0, $0x0;
	s0 =	rddreg [dreg:$0x3]  }
0xe8: {  	s0 =	sadd.s32 @!p0 $0x100000, s0  }
0xe9: {  	[sflag:s0] =	ssyncadd.tile.s32 @!p0 $0x1;
	_ =	shalt  }
.Lfunc_end2:
_tile_overlayer_lowered:
.L_overlay_start_2:
0xea: {  	(tag) =	ssettag $0x2  }
0xeb: {  	s0 =	rddreg [dreg:$0x0];
	s2 =	stileid.u32  }
0xec: {  	s1 =	rddreg [dreg:$0x1];
	p0 =	sne.s32 s2, $0x0  }
0xed: {  	s3 =	rddreg [dreg:$0x2];
	[bflag:$0x3] =	sbarrier.arrive $0xFFFF;
	s2 =	simm.s32 @!p0 $0x1C09  }
0xee: {  	[timem:s3], [sflag:s2] =	dma.local @!p0 [hbm:s0], s1  }
0xef: {  	s0 =	simm.s32 @!p0 $0x9  }
0xf0: {  	_ =	swait.ge @!p0 [sflag:s0], s1  }
0xf1: {  	s1 =	ssub.s32 @!p0 $0x0, s1;
	[sflag:s0] =	ssyncset.done @!p0 $0x0  }
0xf2: {  	[sflag:s0] =	ssyncadd.s32 @!p0 s1  }
0xf3: {  	[bflag:$0x3] =	sbarrier.arrive $0xFFFF  }
0xf4: {  	_ =	shalt  }

</sc_bundles>
